<compile_context>
chip_gen: v7x
topology: tpu7x:2x2x1
jax: 0.10.2.dev20260603
libtpu: 0.0.44.dev20260713+nightly
codegen_flags: <defaults>
</compile_context>

<pallas_src>
import functools

import jax
import jax.numpy as jnp
from jax import lax
from jax.experimental import pallas as pl
from jax.experimental.pallas import tpu as pltpu
from jax.experimental.pallas import tpu_sc as plsc

D_MODEL = 1024
D_HIDDEN = 1024
N_EXP = 16
N_TOK = 2048
BLK = 128
N_BLK = 32
PAD_N = N_BLK * BLK
N_WORKERS = 32
CHUNK = N_TOK // N_WORKERS


def _plan_kernel(x_ref, rw_ref, rb_ref, slot_ref, eob_ref, valid_ref,
                 xbi_ref, lim_ref):
    xx = x_ref[...]
    logits = jnp.dot(xx, rw_ref[...], preferred_element_type=jnp.float32)
    logits = logits + rb_ref[...]
    mx = jnp.max(logits, axis=1, keepdims=True)
    e_iota = lax.broadcasted_iota(jnp.int32, (N_TOK, N_EXP), 1)
    ids = jnp.min(jnp.where(logits == mx, e_iota, N_EXP), axis=1, keepdims=True)
    onehot = (e_iota == ids).astype(jnp.int32)

    csum = onehot
    sh = 1
    while sh < N_TOK:
        shifted = jnp.concatenate(
            [jnp.zeros((sh, N_EXP), jnp.int32), csum[: N_TOK - sh]], axis=0
        )
        csum = csum + shifted
        sh *= 2
    rank = jnp.sum(onehot * csum, axis=1, keepdims=True) - 1

    counts = jnp.sum(onehot, axis=0, keepdims=True)
    aligned = ((counts + BLK - 1) // BLK) * BLK
    acc = aligned
    sh = 1
    while sh < N_EXP:
        shifted = jnp.concatenate(
            [jnp.zeros((1, sh), jnp.int32), acc[:, : N_EXP - sh]], axis=1
        )
        acc = acc + shifted
        sh *= 2
    off = acc - aligned

    tok_off = jnp.sum(onehot * off, axis=1, keepdims=True)
    slot = tok_off + rank
    slot_ref[...] = jnp.broadcast_to(slot, (N_TOK, 128))

    total = jnp.sum(aligned, axis=1, keepdims=True)
    s0 = lax.broadcasted_iota(jnp.int32, (N_BLK, N_EXP), 0) * BLK
    s0c = jnp.minimum(s0, jnp.broadcast_to(total - BLK, (N_BLK, N_EXP)))
    eob = jnp.sum((jnp.broadcast_to(off, (N_BLK, N_EXP)) <= s0c).astype(jnp.int32),
                  axis=1, keepdims=True) - 1
    b_iota = lax.broadcasted_iota(jnp.int32, (N_BLK, 1), 0)
    valid = b_iota * BLK < total
    xbi = jnp.minimum(b_iota, total // BLK - 1)
    e_iota_b = lax.broadcasted_iota(jnp.int32, (N_BLK, N_EXP), 1)
    eob_onehot = (e_iota_b == eob).astype(jnp.int32)
    gend = jnp.sum(eob_onehot * (off + counts), axis=1, keepdims=True)
    lim = jnp.clip(gend - b_iota * BLK, 0, BLK)
    eob_ref[...] = jnp.broadcast_to(eob, (N_BLK, 128))
    valid_ref[...] = jnp.broadcast_to(valid.astype(jnp.int32), (N_BLK, 128))
    xbi_ref[...] = jnp.broadcast_to(xbi, (N_BLK, 128))
    lim_ref[...] = jnp.broadcast_to(lim, (N_BLK, 128))


@functools.lru_cache(maxsize=1)
def _make_sc_scatter():
    mesh = plsc.VectorSubcoreMesh(core_axis_name="c", subcore_axis_name="s")

    half = CHUNK // 2

    @functools.partial(
        pl.kernel,
        mesh=mesh,
        out_type=jax.ShapeDtypeStruct((PAD_N, D_MODEL), jnp.float32),
        scratch_types=[
            pltpu.VMEM((2, half), jnp.int32),
            pltpu.VMEM((CHUNK, D_MODEL), jnp.float32),
            pltpu.SemaphoreType.DMA,
            pltpu.SemaphoreType.DMA,
        ],
    )
    def _sc_scatter(x_hbm, slot_hbm, xpad_hbm, idx_v, rows_v, sem_in, sem_out):
        wid = lax.axis_index("s") * 2 + lax.axis_index("c")
        base = wid * CHUNK
        pltpu.sync_copy(slot_hbm.at[pl.ds(base, half)], idx_v.at[0])
        pltpu.sync_copy(slot_hbm.at[pl.ds(base + half, half)], idx_v.at[1])
        in0 = pltpu.async_copy(x_hbm.at[pl.ds(base, half)],
                               rows_v.at[pl.ds(0, half)], sem_in)
        in1 = pltpu.async_copy(x_hbm.at[pl.ds(base + half, half)],
                               rows_v.at[pl.ds(half, half)], sem_in)
        in0.wait()
        out0 = pltpu.async_copy(rows_v.at[pl.ds(0, half)],
                                xpad_hbm.at[idx_v.at[0]], sem_out)
        in1.wait()
        out1 = pltpu.async_copy(rows_v.at[pl.ds(half, half)],
                                xpad_hbm.at[idx_v.at[1]], sem_out)
        out0.wait()
        out1.wait()

    return _sc_scatter


def _moe_kernel(eob_sp, valid_sp, xbi_sp, lim_sp, slot_ref, xb_ref, w_ref,
                v_ref, out_ref):
    b = pl.program_id(0)

    @pl.when(b == 0)
    def _init():
        out_ref[...] = jnp.zeros_like(out_ref)

    @pl.when(valid_sp[b] == 1)
    def _body():
        row = lax.broadcasted_iota(jnp.int32, (BLK, 1), 0)
        xb = jnp.where(row < lim_sp[b], xb_ref[...], 0.0)
        a = jnp.dot(xb, w_ref[0], preferred_element_type=jnp.float32)
        g = jnp.dot(xb, v_ref[0], preferred_element_type=jnp.float32)
        y = a * (g * (1.0 / (1.0 + jnp.exp(-g))))
        slot = slot_ref[:, 0:1]
        r = lax.broadcasted_iota(jnp.int32, (N_TOK, BLK), 1) + b * BLK
        pt = (slot == r).astype(jnp.float32)
        out_ref[...] += lax.dot_general(pt, y, (((1,), (0,)), ((), ())),
                                        preferred_element_type=jnp.float32)


def kernel(x, router_w, router_b, W, V):
    Bs, Ts, Dm = x.shape
    x_flat = x.reshape(Bs * Ts, Dm)
    rb = router_b.reshape(1, N_EXP)

    slot2d, eob2d, valid2d, xbi2d, lim2d = pl.pallas_call(
        _plan_kernel,
        out_shape=[
            jax.ShapeDtypeStruct((N_TOK, 128), jnp.int32),
            jax.ShapeDtypeStruct((N_BLK, 128), jnp.int32),
            jax.ShapeDtypeStruct((N_BLK, 128), jnp.int32),
            jax.ShapeDtypeStruct((N_BLK, 128), jnp.int32),
            jax.ShapeDtypeStruct((N_BLK, 128), jnp.int32),
        ],
    )(x_flat, router_w, rb)

    slot = slot2d[:, 0]
    eob = eob2d[:, 0]
    valid = valid2d[:, 0]
    xbi = xbi2d[:, 0]
    lim = lim2d[:, 0]

    x_pad = _make_sc_scatter()(x_flat, slot)

    grid_spec = pltpu.PrefetchScalarGridSpec(
        num_scalar_prefetch=4,
        grid=(N_BLK,),
        in_specs=[
            pl.BlockSpec((N_TOK, 128), lambda b, eob, val, xbi, lim: (0, 0)),
            pl.BlockSpec((BLK, D_MODEL), lambda b, eob, val, xbi, lim: (xbi[b], 0)),
            pl.BlockSpec((1, D_MODEL, D_HIDDEN),
                         lambda b, eob, val, xbi, lim: (eob[b], 0, 0)),
            pl.BlockSpec((1, D_MODEL, D_HIDDEN),
                         lambda b, eob, val, xbi, lim: (eob[b], 0, 0)),
        ],
        out_specs=pl.BlockSpec((N_TOK, D_HIDDEN),
                               lambda b, eob, val, xbi, lim: (0, 0)),
    )
    out = pl.pallas_call(
        _moe_kernel,
        grid_spec=grid_spec,
        out_shape=jax.ShapeDtypeStruct((N_TOK, D_HIDDEN), jnp.float32),
    )(eob, valid, xbi, lim, slot2d, x_pad, W, V)
    return out.reshape(Bs, Ts, D_HIDDEN)

# --- scband reference (transcript-rebuilt; emitter-appended) ---
"""Pipeline reference for scband-mixture-of-experts-54202487275618 (READ-ONLY COPY).

The authoritative reference and input builder live on the scoring server;
editing this copy changes nothing except your own understanding.
"""

import jax, jax.numpy as jnp
import numpy as np

D_MODEL = 1024
D_HIDDEN = 1024
N_EXPERTS = 16
TOP_K = 1
B = 1
T = 2048


def setup_inputs(seed: int = 0) -> dict:
    key = jax.random.key(seed)
    ks = jax.random.split(key, 5)
    x = jax.random.normal(ks[0], (B, T, D_MODEL), dtype=jnp.float32)
    router_w = jax.random.normal(ks[1], (D_MODEL, N_EXPERTS), dtype=jnp.float32) * 0.02
    router_b = jnp.zeros((N_EXPERTS,), dtype=jnp.float32)
    W = jax.random.normal(ks[2], (N_EXPERTS, D_MODEL, D_HIDDEN), dtype=jnp.float32) * 0.02
    V = jax.random.normal(ks[3], (N_EXPERTS, D_MODEL, D_HIDDEN), dtype=jnp.float32) * 0.02
    return {"x": x, "router_w": router_w, "router_b": router_b, "W": W, "V": V}


def reference(x, router_w, router_b, W, V):
    Bs, Ts, Dm = x.shape
    N = Bs * Ts
    x_flat = x.reshape(N, Dm)
    # router: linear layer over tokens
    router_logits = x_flat @ router_w + router_b
    # top-k routing
    top_k_logits, top_k_ids = jax.lax.top_k(router_logits, TOP_K)
    top_k_probs = jax.nn.softmax(top_k_logits, axis=-1)
    # scatter routing probs back to a dense [N, E] combine-weight matrix
    combine = jnp.zeros((N, N_EXPERTS), dtype=x.dtype)
    combine = combine.at[jnp.arange(N)[:, None], top_k_ids].add(top_k_probs)
    # per-expert SwiGLU, weighted-summed per token
    out = jnp.zeros((N, D_HIDDEN), dtype=x.dtype)
    for e in range(N_EXPERTS):
        a = x_flat @ W[e]
        b = x_flat @ V[e]
        y = a * (b * jax.nn.sigmoid(b))  # SwiGLU: a * swish(b)
        out = out + combine[:, e][:, None] * y
    return out.reshape(Bs, Ts, D_HIDDEN)

if __name__ == "__main__":
    import jax
    _d = setup_inputs()
    print(jax.jit(kernel)(*tuple(_d.values())))

</pallas_src>

<mosaic_0001>
#map = affine_map<(d0, d1) -> (0, 0)>
#map1 = affine_map<(d0, d1) -> (0)>
module attributes {stable_mosaic.version = 14 : i64} {
  func.func @_sc_scatter(%arg0: i32, %arg1: i32, %arg2: memref<2048x1024xf32, #tpu.memory_space<hbm>>, %arg3: memref<2048xi32, #tpu.memory_space<hbm>>, %arg4: memref<4096x1024xf32, #tpu.memory_space<hbm>>, %arg5: memref<2x32xi32, #tpu.memory_space<vmem>>, %arg6: memref<64x1024xf32, #tpu.memory_space<vmem>>, %arg7: memref<!tpu.dma_semaphore, #tpu.memory_space<semaphore_mem>>, %arg8: memref<!tpu.dma_semaphore, #tpu.memory_space<semaphore_mem>>) attributes {dimension_semantics = [#tpu.dimension_semantics<core_parallel>, #tpu.dimension_semantics<subcore_parallel>], iteration_bounds = array<i64: 2, 16>, scalar_prefetch = 0 : i64, scratch_operands = 4 : i64, tpu.core_type = #tpu.core_type<sc_vector_subcore>, window_params = [{transform_indices = #map}, {transform_indices = #map1}, {transform_indices = #map}]} {
    %mul3A = arith.constant 2 : i32
    %mul3A_0 = arith.muli %arg1, %mul3A : i32
    %add3A = arith.addi %mul3A_0, %arg0 : i32
    %mul3A_1 = arith.constant 64 : i32
    %mul3A_2 = arith.muli %add3A, %mul3A_1 : i32
    %run_scoped3A = arith.constant 0 : i32
    "tpu.region"() ({
      %run_scoped3A_86 = tpu.sem_alloc : memref<!tpu.dma_semaphore, #tpu.memory_space<semaphore_mem>>
      %dma_start3A_87 = arith.constant 0 : i32
      %dma_start3A_88 = tpu.memref_slice %arg5[%run_scoped3A, %dma_start3A_87] : memref<2x32xi32, #tpu.memory_space<vmem>> -> memref<1x32xi32, #tpu.memory_space<vmem>>
      %dma_start3A_89 = tpu.memref_squeeze %dma_start3A_88 : memref<1x32xi32, #tpu.memory_space<vmem>> -> memref<32xi32, #tpu.memory_space<vmem>>
      %dma_start3A_90 = tpu.memref_slice %arg3[%mul3A_2] : memref<2048xi32, #tpu.memory_space<hbm>> -> memref<32xi32, #tpu.memory_space<hbm>>
      %dma_start3A_91 = arith.constant 0 : i32
      %dma_start3A_92 = tpu.memref_slice %arg5[%run_scoped3A, %dma_start3A_91] : memref<2x32xi32, #tpu.memory_space<vmem>> -> memref<1x32xi32, #tpu.memory_space<vmem>>
      %dma_start3A_93 = tpu.memref_squeeze %dma_start3A_92 : memref<1x32xi32, #tpu.memory_space<vmem>> -> memref<32xi32, #tpu.memory_space<vmem>>
      %dma_start3A_94 = tpu.memref_slice %arg3[%mul3A_2] : memref<2048xi32, #tpu.memory_space<hbm>> -> memref<32xi32, #tpu.memory_space<hbm>>
      tpu.enqueue_dma source(%dma_start3A_94 : memref<32xi32, #tpu.memory_space<hbm>>) target(%dma_start3A_93 : memref<32xi32, #tpu.memory_space<vmem>>) target_semaphore(%run_scoped3A_86 : memref<!tpu.dma_semaphore, #tpu.memory_space<semaphore_mem>>)
      %dma_wait3A_95 = arith.constant 0 : i32
      %dma_wait3A_96 = tpu.memref_slice %arg5[%run_scoped3A, %dma_wait3A_95] : memref<2x32xi32, #tpu.memory_space<vmem>> -> memref<1x32xi32, #tpu.memory_space<vmem>>
      %dma_wait3A_97 = tpu.memref_squeeze %dma_wait3A_96 : memref<1x32xi32, #tpu.memory_space<vmem>> -> memref<32xi32, #tpu.memory_space<vmem>>
      %dma_wait3A_98 = tpu.memref_slice %arg3[%mul3A_2] : memref<2048xi32, #tpu.memory_space<hbm>> -> memref<32xi32, #tpu.memory_space<hbm>>
      %dma_wait3A_99 = arith.constant 0 : i32
      %dma_wait3A_100 = tpu.memref_slice %arg5[%run_scoped3A, %dma_wait3A_99] : memref<2x32xi32, #tpu.memory_space<vmem>> -> memref<1x32xi32, #tpu.memory_space<vmem>>
      %dma_wait3A_101 = tpu.memref_squeeze %dma_wait3A_100 : memref<1x32xi32, #tpu.memory_space<vmem>> -> memref<32xi32, #tpu.memory_space<vmem>>
      %dma_wait3A_102 = tpu.memref_slice %arg3[%mul3A_2] : memref<2048xi32, #tpu.memory_space<hbm>> -> memref<32xi32, #tpu.memory_space<hbm>>
      tpu.wait_dma2 semaphore(%run_scoped3A_86 : memref<!tpu.dma_semaphore, #tpu.memory_space<semaphore_mem>>) src(%dma_wait3A_102 : memref<32xi32, #tpu.memory_space<hbm>>) dst(%dma_wait3A_101 : memref<32xi32, #tpu.memory_space<vmem>>)
      tpu.yield
    }) : () -> ()
    %add3A_3 = arith.constant 32 : i32
    %add3A_4 = arith.addi %mul3A_2, %add3A_3 : i32
    %run_scoped3A_5 = arith.constant 1 : i32
    "tpu.region"() ({
      %run_scoped3A_86 = tpu.sem_alloc : memref<!tpu.dma_semaphore, #tpu.memory_space<semaphore_mem>>
      %dma_start3A_87 = arith.constant 0 : i32
      %dma_start3A_88 = tpu.memref_slice %arg5[%run_scoped3A_5, %dma_start3A_87] : memref<2x32xi32, #tpu.memory_space<vmem>> -> memref<1x32xi32, #tpu.memory_space<vmem>>
      %dma_start3A_89 = tpu.memref_squeeze %dma_start3A_88 : memref<1x32xi32, #tpu.memory_space<vmem>> -> memref<32xi32, #tpu.memory_space<vmem>>
      %dma_start3A_90 = tpu.memref_slice %arg3[%add3A_4] : memref<2048xi32, #tpu.memory_space<hbm>> -> memref<32xi32, #tpu.memory_space<hbm>>
      %dma_start3A_91 = arith.constant 0 : i32
      %dma_start3A_92 = tpu.memref_slice %arg5[%run_scoped3A_5, %dma_start3A_91] : memref<2x32xi32, #tpu.memory_space<vmem>> -> memref<1x32xi32, #tpu.memory_space<vmem>>
      %dma_start3A_93 = tpu.memref_squeeze %dma_start3A_92 : memref<1x32xi32, #tpu.memory_space<vmem>> -> memref<32xi32, #tpu.memory_space<vmem>>
      %dma_start3A_94 = tpu.memref_slice %arg3[%add3A_4] : memref<2048xi32, #tpu.memory_space<hbm>> -> memref<32xi32, #tpu.memory_space<hbm>>
      tpu.enqueue_dma source(%dma_start3A_94 : memref<32xi32, #tpu.memory_space<hbm>>) target(%dma_start3A_93 : memref<32xi32, #tpu.memory_space<vmem>>) target_semaphore(%run_scoped3A_86 : memref<!tpu.dma_semaphore, #tpu.memory_space<semaphore_mem>>)
      %dma_wait3A_95 = arith.constant 0 : i32
      %dma_wait3A_96 = tpu.memref_slice %arg5[%run_scoped3A_5, %dma_wait3A_95] : memref<2x32xi32, #tpu.memory_space<vmem>> -> memref<1x32xi32, #tpu.memory_space<vmem>>
      %dma_wait3A_97 = tpu.memref_squeeze %dma_wait3A_96 : memref<1x32xi32, #tpu.memory_space<vmem>> -> memref<32xi32, #tpu.memory_space<vmem>>
      %dma_wait3A_98 = tpu.memref_slice %arg3[%add3A_4] : memref<2048xi32, #tpu.memory_space<hbm>> -> memref<32xi32, #tpu.memory_space<hbm>>
      %dma_wait3A_99 = arith.constant 0 : i32
      %dma_wait3A_100 = tpu.memref_slice %arg5[%run_scoped3A_5, %dma_wait3A_99] : memref<2x32xi32, #tpu.memory_space<vmem>> -> memref<1x32xi32, #tpu.memory_space<vmem>>
      %dma_wait3A_101 = tpu.memref_squeeze %dma_wait3A_100 : memref<1x32xi32, #tpu.memory_space<vmem>> -> memref<32xi32, #tpu.memory_space<vmem>>
      %dma_wait3A_102 = tpu.memref_slice %arg3[%add3A_4] : memref<2048xi32, #tpu.memory_space<hbm>> -> memref<32xi32, #tpu.memory_space<hbm>>
      tpu.wait_dma2 semaphore(%run_scoped3A_86 : memref<!tpu.dma_semaphore, #tpu.memory_space<semaphore_mem>>) src(%dma_wait3A_102 : memref<32xi32, #tpu.memory_space<hbm>>) dst(%dma_wait3A_101 : memref<32xi32, #tpu.memory_space<vmem>>)
      tpu.yield
    }) : () -> ()
    %dma_start3A = arith.constant 0 : i32
    %dma_start3A_6 = arith.constant 0 : i32
    %dma_start3A_7 = tpu.memref_slice %arg6[%dma_start3A, %dma_start3A_6] : memref<64x1024xf32, #tpu.memory_space<vmem>> -> memref<32x1024xf32, #tpu.memory_space<vmem>>
    %dma_start3A_8 = arith.constant 0 : i32
    %dma_start3A_9 = tpu.memref_slice %arg2[%mul3A_2, %dma_start3A_8] : memref<2048x1024xf32, #tpu.memory_space<hbm>> -> memref<32x1024xf32, #tpu.memory_space<hbm>>
    %dma_start3A_10 = arith.constant 0 : i32
    %dma_start3A_11 = arith.constant 0 : i32
    %dma_start3A_12 = tpu.memref_slice %arg6[%dma_start3A_10, %dma_start3A_11] : memref<64x1024xf32, #tpu.memory_space<vmem>> -> memref<32x1024xf32, #tpu.memory_space<vmem>>
    %dma_start3A_13 = arith.constant 0 : i32
    %dma_start3A_14 = tpu.memref_slice %arg2[%mul3A_2, %dma_start3A_13] : memref<2048x1024xf32, #tpu.memory_space<hbm>> -> memref<32x1024xf32, #tpu.memory_space<hbm>>
    tpu.enqueue_dma source(%dma_start3A_14 : memref<32x1024xf32, #tpu.memory_space<hbm>>) target(%dma_start3A_12 : memref<32x1024xf32, #tpu.memory_space<vmem>>) target_semaphore(%arg7 : memref<!tpu.dma_semaphore, #tpu.memory_space<semaphore_mem>>)
    %add3A_15 = arith.constant 32 : i32
    %add3A_16 = arith.addi %mul3A_2, %add3A_15 : i32
    %dma_start3A_17 = arith.constant 32 : i32
    %dma_start3A_18 = arith.constant 0 : i32
    %dma_start3A_19 = tpu.memref_slice %arg6[%dma_start3A_17, %dma_start3A_18] : memref<64x1024xf32, #tpu.memory_space<vmem>> -> memref<32x1024xf32, #tpu.memory_space<vmem>>
    %dma_start3A_20 = arith.constant 0 : i32
    %dma_start3A_21 = tpu.memref_slice %arg2[%add3A_16, %dma_start3A_20] : memref<2048x1024xf32, #tpu.memory_space<hbm>> -> memref<32x1024xf32, #tpu.memory_space<hbm>>
    %dma_start3A_22 = arith.constant 32 : i32
    %dma_start3A_23 = arith.constant 0 : i32
    %dma_start3A_24 = tpu.memref_slice %arg6[%dma_start3A_22, %dma_start3A_23] : memref<64x1024xf32, #tpu.memory_space<vmem>> -> memref<32x1024xf32, #tpu.memory_space<vmem>>
    %dma_start3A_25 = arith.constant 0 : i32
    %dma_start3A_26 = tpu.memref_slice %arg2[%add3A_16, %dma_start3A_25] : memref<2048x1024xf32, #tpu.memory_space<hbm>> -> memref<32x1024xf32, #tpu.memory_space<hbm>>
    tpu.enqueue_dma source(%dma_start3A_26 : memref<32x1024xf32, #tpu.memory_space<hbm>>) target(%dma_start3A_24 : memref<32x1024xf32, #tpu.memory_space<vmem>>) target_semaphore(%arg7 : memref<!tpu.dma_semaphore, #tpu.memory_space<semaphore_mem>>)
    %dma_wait3A = arith.constant 0 : i32
    %dma_wait3A_27 = arith.constant 0 : i32
    %dma_wait3A_28 = tpu.memref_slice %arg6[%dma_wait3A, %dma_wait3A_27] : memref<64x1024xf32, #tpu.memory_space<vmem>> -> memref<32x1024xf32, #tpu.memory_space<vmem>>
    %dma_wait3A_29 = arith.constant 0 : i32
    %dma_wait3A_30 = tpu.memref_slice %arg2[%mul3A_2, %dma_wait3A_29] : memref<2048x1024xf32, #tpu.memory_space<hbm>> -> memref<32x1024xf32, #tpu.memory_space<hbm>>
    %dma_wait3A_31 = arith.constant 0 : i32
    %dma_wait3A_32 = arith.constant 0 : i32
    %dma_wait3A_33 = tpu.memref_slice %arg6[%dma_wait3A_31, %dma_wait3A_32] : memref<64x1024xf32, #tpu.memory_space<vmem>> -> memref<32x1024xf32, #tpu.memory_space<vmem>>
    %dma_wait3A_34 = arith.constant 0 : i32
    %dma_wait3A_35 = tpu.memref_slice %arg2[%mul3A_2, %dma_wait3A_34] : memref<2048x1024xf32, #tpu.memory_space<hbm>> -> memref<32x1024xf32, #tpu.memory_space<hbm>>
    tpu.wait_dma2 semaphore(%arg7 : memref<!tpu.dma_semaphore, #tpu.memory_space<semaphore_mem>>) src(%dma_wait3A_35 : memref<32x1024xf32, #tpu.memory_space<hbm>>) dst(%dma_wait3A_33 : memref<32x1024xf32, #tpu.memory_space<vmem>>)
    %dma_start3A_36 = arith.constant 0 : i32
    %dma_start3A_37 = arith.constant 0 : i32
    %dma_start3A_38 = arith.constant 0 : i32
    %dma_start3A_39 = tpu.memref_slice %arg6[%dma_start3A_37, %dma_start3A_38] : memref<64x1024xf32, #tpu.memory_space<vmem>> -> memref<32x1024xf32, #tpu.memory_space<vmem>>
    %dma_start3A_40 = arith.constant 0 : i32
    %dma_start3A_41 = tpu.memref_slice %arg5[%dma_start3A_36, %dma_start3A_40] : memref<2x32xi32, #tpu.memory_space<vmem>> -> memref<1x32xi32, #tpu.memory_space<vmem>>
    %dma_start3A_42 = tpu.memref_squeeze %dma_start3A_41 : memref<1x32xi32, #tpu.memory_space<vmem>> -> memref<32xi32, #tpu.memory_space<vmem>>
    %dma_start3A_43 = arith.constant 0 : i32
    %dma_start3A_44 = arith.constant 0 : i32
    %dma_start3A_45 = tpu.memref_slice %arg4[%dma_start3A_43, %dma_start3A_44] : memref<4096x1024xf32, #tpu.memory_space<hbm>> -> memref<4096x1024xf32, #tpu.memory_space<hbm>>
    tpu.enqueue_indirect_dma source(%dma_start3A_39 : memref<32x1024xf32, #tpu.memory_space<vmem>>) target(%dma_start3A_45 : memref<4096x1024xf32, #tpu.memory_space<hbm>>) offsets(%dma_start3A_42 : memref<32xi32, #tpu.memory_space<vmem>>) semaphore(%arg8 : memref<!tpu.dma_semaphore, #tpu.memory_space<semaphore_mem>>)
    %dma_wait3A_46 = arith.constant 32 : i32
    %dma_wait3A_47 = arith.constant 0 : i32
    %dma_wait3A_48 = tpu.memref_slice %arg6[%dma_wait3A_46, %dma_wait3A_47] : memref<64x1024xf32, #tpu.memory_space<vmem>> -> memref<32x1024xf32, #tpu.memory_space<vmem>>
    %dma_wait3A_49 = arith.constant 0 : i32
    %dma_wait3A_50 = tpu.memref_slice %arg2[%add3A_16, %dma_wait3A_49] : memref<2048x1024xf32, #tpu.memory_space<hbm>> -> memref<32x1024xf32, #tpu.memory_space<hbm>>
    %dma_wait3A_51 = arith.constant 32 : i32
    %dma_wait3A_52 = arith.constant 0 : i32
    %dma_wait3A_53 = tpu.memref_slice %arg6[%dma_wait3A_51, %dma_wait3A_52] : memref<64x1024xf32, #tpu.memory_space<vmem>> -> memref<32x1024xf32, #tpu.memory_space<vmem>>
    %dma_wait3A_54 = arith.constant 0 : i32
    %dma_wait3A_55 = tpu.memref_slice %arg2[%add3A_16, %dma_wait3A_54] : memref<2048x1024xf32, #tpu.memory_space<hbm>> -> memref<32x1024xf32, #tpu.memory_space<hbm>>
    tpu.wait_dma2 semaphore(%arg7 : memref<!tpu.dma_semaphore, #tpu.memory_space<semaphore_mem>>) src(%dma_wait3A_55 : memref<32x1024xf32, #tpu.memory_space<hbm>>) dst(%dma_wait3A_53 : memref<32x1024xf32, #tpu.memory_space<vmem>>)
    %dma_start3A_56 = arith.constant 1 : i32
    %dma_start3A_57 = arith.constant 32 : i32
    %dma_start3A_58 = arith.constant 0 : i32
    %dma_start3A_59 = tpu.memref_slice %arg6[%dma_start3A_57, %dma_start3A_58] : memref<64x1024xf32, #tpu.memory_space<vmem>> -> memref<32x1024xf32, #tpu.memory_space<vmem>>
    %dma_start3A_60 = arith.constant 0 : i32
    %dma_start3A_61 = tpu.memref_slice %arg5[%dma_start3A_56, %dma_start3A_60] : memref<2x32xi32, #tpu.memory_space<vmem>> -> memref<1x32xi32, #tpu.memory_space<vmem>>
    %dma_start3A_62 = tpu.memref_squeeze %dma_start3A_61 : memref<1x32xi32, #tpu.memory_space<vmem>> -> memref<32xi32, #tpu.memory_space<vmem>>
    %dma_start3A_63 = arith.constant 0 : i32
    %dma_start3A_64 = arith.constant 0 : i32
    %dma_start3A_65 = tpu.memref_slice %arg4[%dma_start3A_63, %dma_start3A_64] : memref<4096x1024xf32, #tpu.memory_space<hbm>> -> memref<4096x1024xf32, #tpu.memory_space<hbm>>
    tpu.enqueue_indirect_dma source(%dma_start3A_59 : memref<32x1024xf32, #tpu.memory_space<vmem>>) target(%dma_start3A_65 : memref<4096x1024xf32, #tpu.memory_space<hbm>>) offsets(%dma_start3A_62 : memref<32xi32, #tpu.memory_space<vmem>>) semaphore(%arg8 : memref<!tpu.dma_semaphore, #tpu.memory_space<semaphore_mem>>)
    %dma_wait3A_66 = arith.constant 0 : i32
    %dma_wait3A_67 = arith.constant 0 : i32
    %dma_wait3A_68 = arith.constant 0 : i32
    %dma_wait3A_69 = tpu.memref_slice %arg6[%dma_wait3A_67, %dma_wait3A_68] : memref<64x1024xf32, #tpu.memory_space<vmem>> -> memref<32x1024xf32, #tpu.memory_space<vmem>>
    %dma_wait3A_70 = arith.constant 0 : i32
    %dma_wait3A_71 = tpu.memref_slice %arg5[%dma_wait3A_66, %dma_wait3A_70] : memref<2x32xi32, #tpu.memory_space<vmem>> -> memref<1x32xi32, #tpu.memory_space<vmem>>
    %dma_wait3A_72 = tpu.memref_squeeze %dma_wait3A_71 : memref<1x32xi32, #tpu.memory_space<vmem>> -> memref<32xi32, #tpu.memory_space<vmem>>
    %dma_wait3A_73 = arith.constant 0 : i32
    %dma_wait3A_74 = arith.constant 0 : i32
    %dma_wait3A_75 = tpu.memref_slice %arg4[%dma_wait3A_73, %dma_wait3A_74] : memref<4096x1024xf32, #tpu.memory_space<hbm>> -> memref<4096x1024xf32, #tpu.memory_space<hbm>>
    tpu.wait_indirect_dma semaphore(%arg8 : memref<!tpu.dma_semaphore, #tpu.memory_space<semaphore_mem>>) src(%dma_wait3A_69 : memref<32x1024xf32, #tpu.memory_space<vmem>>) dst(%dma_wait3A_75 : memref<4096x1024xf32, #tpu.memory_space<hbm>>)
    %dma_wait3A_76 = arith.constant 1 : i32
    %dma_wait3A_77 = arith.constant 32 : i32
    %dma_wait3A_78 = arith.constant 0 : i32
    %dma_wait3A_79 = tpu.memref_slice %arg6[%dma_wait3A_77, %dma_wait3A_78] : memref<64x1024xf32, #tpu.memory_space<vmem>> -> memref<32x1024xf32, #tpu.memory_space<vmem>>
    %dma_wait3A_80 = arith.constant 0 : i32
    %dma_wait3A_81 = tpu.memref_slice %arg5[%dma_wait3A_76, %dma_wait3A_80] : memref<2x32xi32, #tpu.memory_space<vmem>> -> memref<1x32xi32, #tpu.memory_space<vmem>>
    %dma_wait3A_82 = tpu.memref_squeeze %dma_wait3A_81 : memref<1x32xi32, #tpu.memory_space<vmem>> -> memref<32xi32, #tpu.memory_space<vmem>>
    %dma_wait3A_83 = arith.constant 0 : i32
    %dma_wait3A_84 = arith.constant 0 : i32
    %dma_wait3A_85 = tpu.memref_slice %arg4[%dma_wait3A_83, %dma_wait3A_84] : memref<4096x1024xf32, #tpu.memory_space<hbm>> -> memref<4096x1024xf32, #tpu.memory_space<hbm>>
    tpu.wait_indirect_dma semaphore(%arg8 : memref<!tpu.dma_semaphore, #tpu.memory_space<semaphore_mem>>) src(%dma_wait3A_79 : memref<32x1024xf32, #tpu.memory_space<vmem>>) dst(%dma_wait3A_85 : memref<4096x1024xf32, #tpu.memory_space<hbm>>)
    return
  }
}

module attributes {stable_mosaic.version = 14 : i64} {
  func.func @_plan_kernel(%arg0: memref<2048x1024xf32, #tpu.memory_space<vmem>>, %arg1: memref<1024x16xf32, #tpu.memory_space<vmem>>, %arg2: memref<1x16xf32, #tpu.memory_space<vmem>>, %arg3: memref<2048x128xi32, #tpu.memory_space<vmem>>, %arg4: memref<32x128xi32, #tpu.memory_space<vmem>>, %arg5: memref<32x128xi32, #tpu.memory_space<vmem>>, %arg6: memref<32x128xi32, #tpu.memory_space<vmem>>, %arg7: memref<32x128xi32, #tpu.memory_space<vmem>>) attributes {dimension_semantics = [], scalar_prefetch = 0 : i64, scratch_operands = 0 : i64, tpu.core_type = #tpu.core_type<tc>} {
    %get3A = arith.constant 0 : index
    %get3A_0 = arith.constant 0 : index
    %get3A_1 = vector.load %arg0[%get3A, %get3A_0] : memref<2048x1024xf32, #tpu.memory_space<vmem>>, vector<2048x1024xf32>
    %get3A_2 = arith.constant 0 : index
    %get3A_3 = arith.constant 0 : index
    %get3A_4 = vector.load %arg1[%get3A_2, %get3A_3] : memref<1024x16xf32, #tpu.memory_space<vmem>>, vector<1024x16xf32>
    %dot_general3A = arith.constant dense<0.000000e+00> : vector<2048x16xf32>
    %dot_general3A_5 = tpu.matmul %get3A_1, %get3A_4, %dot_general3A {dimension_numbers = #tpu.dot_dimension_numbers<[1], [0], [0], [1], [0, 0, 1, 1], [], []>, transpose_lhs_hint = false} : vector<2048x1024xf32>, vector<1024x16xf32>, vector<2048x16xf32> -> vector<2048x16xf32>
    %get3A_6 = arith.constant 0 : index
    %get3A_7 = arith.constant 0 : index
    %get3A_8 = vector.load %arg2[%get3A_6, %get3A_7] : memref<1x16xf32, #tpu.memory_space<vmem>>, vector<1x16xf32>
    %add3A = vector.broadcast %get3A_8 : vector<1x16xf32> to vector<2048x16xf32>
    %add3A_9 = arith.addf %dot_general3A_5, %add3A : vector<2048x16xf32>
    %reduce_max3A = arith.constant dense<0xFF800000> : vector<2048xf32>
    %reduce_max3A_10 = vector.multi_reduction <maximumf>, %add3A_9, %reduce_max3A [1] : vector<2048x16xf32> to vector<2048xf32>
    %broadcast_in_dim3A = vector.shape_cast %reduce_max3A_10 : vector<2048xf32> to vector<2048x1xf32>
    %iota3A = tpu.iota {dimensions = array<i32: 1>} : vector<2048x16xi32>
    %eq3A = vector.broadcast %broadcast_in_dim3A : vector<2048x1xf32> to vector<2048x16xf32>
    %eq3A_11 = arith.cmpf oeq, %add3A_9, %eq3A : vector<2048x16xf32>
    %jit3A = arith.constant 16 : i32
    %broadcast_in_dim3A_12 = vector.broadcast %jit3A : i32 to vector<2048x16xi32>
    %select_n3A = arith.select %eq3A_11, %iota3A, %broadcast_in_dim3A_12 : vector<2048x16xi1>, vector<2048x16xi32>
    %reduce_min3A = arith.constant dense<2147483647> : vector<2048xi32>
    %reduce_min3A_13 = vector.multi_reduction <minsi>, %select_n3A, %reduce_min3A [1] : vector<2048x16xi32> to vector<2048xi32>
    %broadcast_in_dim3A_14 = vector.shape_cast %reduce_min3A_13 : vector<2048xi32> to vector<2048x1xi32>
    %eq3A_15 = vector.broadcast %broadcast_in_dim3A_14 : vector<2048x1xi32> to vector<2048x16xi32>
    %eq3A_16 = arith.cmpi eq, %iota3A, %eq3A_15 : vector<2048x16xi32>
    %convert_element_type3A = arith.extui %eq3A_16 : vector<2048x16xi1> to vector<2048x16xi32>
    %broadcast_in_dim3A_17 = arith.constant 0 : i32
    %broadcast_in_dim3A_18 = vector.broadcast %broadcast_in_dim3A_17 : i32 to vector<1x16xi32>
    %slice3A = vector.extract_strided_slice %convert_element_type3A {offsets = [0, 0], sizes = [2047, 16], strides = [1, 1]} : vector<2048x16xi32> to vector<2047x16xi32>
    %concatenate3A = tpu.concatenate %broadcast_in_dim3A_18, %slice3A in 0 : vector<1x16xi32>, vector<2047x16xi32> -> vector<2048x16xi32>
    %add3A_19 = arith.addi %convert_element_type3A, %concatenate3A : vector<2048x16xi32>
    %broadcast_in_dim3A_20 = arith.constant 0 : i32
    %broadcast_in_dim3A_21 = vector.broadcast %broadcast_in_dim3A_20 : i32 to vector<2x16xi32>
    %slice3A_22 = vector.extract_strided_slice %add3A_19 {offsets = [0, 0], sizes = [2046, 16], strides = [1, 1]} : vector<2048x16xi32> to vector<2046x16xi32>
    %concatenate3A_23 = tpu.concatenate %broadcast_in_dim3A_21, %slice3A_22 in 0 : vector<2x16xi32>, vector<2046x16xi32> -> vector<2048x16xi32>
    %add3A_24 = arith.addi %add3A_19, %concatenate3A_23 : vector<2048x16xi32>
    %broadcast_in_dim3A_25 = arith.constant 0 : i32
    %broadcast_in_dim3A_26 = vector.broadcast %broadcast_in_dim3A_25 : i32 to vector<4x16xi32>
    %slice3A_27 = vector.extract_strided_slice %add3A_24 {offsets = [0, 0], sizes = [2044, 16], strides = [1, 1]} : vector<2048x16xi32> to vector<2044x16xi32>
    %concatenate3A_28 = tpu.concatenate %broadcast_in_dim3A_26, %slice3A_27 in 0 : vector<4x16xi32>, vector<2044x16xi32> -> vector<2048x16xi32>
    %add3A_29 = arith.addi %add3A_24, %concatenate3A_28 : vector<2048x16xi32>
    %broadcast_in_dim3A_30 = arith.constant 0 : i32
    %broadcast_in_dim3A_31 = vector.broadcast %broadcast_in_dim3A_30 : i32 to vector<8x16xi32>
    %slice3A_32 = vector.extract_strided_slice %add3A_29 {offsets = [0, 0], sizes = [2040, 16], strides = [1, 1]} : vector<2048x16xi32> to vector<2040x16xi32>
    %concatenate3A_33 = tpu.concatenate %broadcast_in_dim3A_31, %slice3A_32 in 0 : vector<8x16xi32>, vector<2040x16xi32> -> vector<2048x16xi32>
    %add3A_34 = arith.addi %add3A_29, %concatenate3A_33 : vector<2048x16xi32>
    %broadcast_in_dim3A_35 = arith.constant 0 : i32
    %broadcast_in_dim3A_36 = vector.broadcast %broadcast_in_dim3A_35 : i32 to vector<16x16xi32>
    %slice3A_37 = vector.extract_strided_slice %add3A_34 {offsets = [0, 0], sizes = [2032, 16], strides = [1, 1]} : vector<2048x16xi32> to vector<2032x16xi32>
    %concatenate3A_38 = tpu.concatenate %broadcast_in_dim3A_36, %slice3A_37 in 0 : vector<16x16xi32>, vector<2032x16xi32> -> vector<2048x16xi32>
    %add3A_39 = arith.addi %add3A_34, %concatenate3A_38 : vector<2048x16xi32>
    %broadcast_in_dim3A_40 = arith.constant 0 : i32
    %broadcast_in_dim3A_41 = vector.broadcast %broadcast_in_dim3A_40 : i32 to vector<32x16xi32>
    %slice3A_42 = vector.extract_strided_slice %add3A_39 {offsets = [0, 0], sizes = [2016, 16], strides = [1, 1]} : vector<2048x16xi32> to vector<2016x16xi32>
    %concatenate3A_43 = tpu.concatenate %broadcast_in_dim3A_41, %slice3A_42 in 0 : vector<32x16xi32>, vector<2016x16xi32> -> vector<2048x16xi32>
    %add3A_44 = arith.addi %add3A_39, %concatenate3A_43 : vector<2048x16xi32>
    %broadcast_in_dim3A_45 = arith.constant 0 : i32
    %broadcast_in_dim3A_46 = vector.broadcast %broadcast_in_dim3A_45 : i32 to vector<64x16xi32>
    %slice3A_47 = vector.extract_strided_slice %add3A_44 {offsets = [0, 0], sizes = [1984, 16], strides = [1, 1]} : vector<2048x16xi32> to vector<1984x16xi32>
    %concatenate3A_48 = tpu.concatenate %broadcast_in_dim3A_46, %slice3A_47 in 0 : vector<64x16xi32>, vector<1984x16xi32> -> vector<2048x16xi32>
    %add3A_49 = arith.addi %add3A_44, %concatenate3A_48 : vector<2048x16xi32>
    %broadcast_in_dim3A_50 = arith.constant 0 : i32
    %broadcast_in_dim3A_51 = vector.broadcast %broadcast_in_dim3A_50 : i32 to vector<128x16xi32>
    %slice3A_52 = vector.extract_strided_slice %add3A_49 {offsets = [0, 0], sizes = [1920, 16], strides = [1, 1]} : vector<2048x16xi32> to vector<1920x16xi32>
    %concatenate3A_53 = tpu.concatenate %broadcast_in_dim3A_51, %slice3A_52 in 0 : vector<128x16xi32>, vector<1920x16xi32> -> vector<2048x16xi32>
    %add3A_54 = arith.addi %add3A_49, %concatenate3A_53 : vector<2048x16xi32>
    %broadcast_in_dim3A_55 = arith.constant 0 : i32
    %broadcast_in_dim3A_56 = vector.broadcast %broadcast_in_dim3A_55 : i32 to vector<256x16xi32>
    %slice3A_57 = vector.extract_strided_slice %add3A_54 {offsets = [0, 0], sizes = [1792, 16], strides = [1, 1]} : vector<2048x16xi32> to vector<1792x16xi32>
    %concatenate3A_58 = tpu.concatenate %broadcast_in_dim3A_56, %slice3A_57 in 0 : vector<256x16xi32>, vector<1792x16xi32> -> vector<2048x16xi32>
    %add3A_59 = arith.addi %add3A_54, %concatenate3A_58 : vector<2048x16xi32>
    %broadcast_in_dim3A_60 = arith.constant 0 : i32
    %broadcast_in_dim3A_61 = vector.broadcast %broadcast_in_dim3A_60 : i32 to vector<512x16xi32>
    %slice3A_62 = vector.extract_strided_slice %add3A_59 {offsets = [0, 0], sizes = [1536, 16], strides = [1, 1]} : vector<2048x16xi32> to vector<1536x16xi32>
    %concatenate3A_63 = tpu.concatenate %broadcast_in_dim3A_61, %slice3A_62 in 0 : vector<512x16xi32>, vector<1536x16xi32> -> vector<2048x16xi32>
    %add3A_64 = arith.addi %add3A_59, %concatenate3A_63 : vector<2048x16xi32>
    %broadcast_in_dim3A_65 = arith.constant 0 : i32
    %broadcast_in_dim3A_66 = vector.broadcast %broadcast_in_dim3A_65 : i32 to vector<1024x16xi32>
    %slice3A_67 = vector.extract_strided_slice %add3A_64 {offsets = [0, 0], sizes = [1024, 16], strides = [1, 1]} : vector<2048x16xi32> to vector<1024x16xi32>
    %concatenate3A_68 = tpu.concatenate %broadcast_in_dim3A_66, %slice3A_67 in 0 : vector<1024x16xi32>, vector<1024x16xi32> -> vector<2048x16xi32>
    %add3A_69 = arith.addi %add3A_64, %concatenate3A_68 : vector<2048x16xi32>
    %mul3A = arith.muli %convert_element_type3A, %add3A_69 : vector<2048x16xi32>
    %reduce_sum3A = arith.constant dense<0> : vector<2048xi32>
    %reduce_sum3A_70 = vector.multi_reduction <add>, %mul3A, %reduce_sum3A [1] : vector<2048x16xi32> to vector<2048xi32>
    %broadcast_in_dim3A_71 = vector.shape_cast %reduce_sum3A_70 : vector<2048xi32> to vector<2048x1xi32>
    %sub3A = arith.constant 1 : i32
    %sub3A_72 = vector.broadcast %sub3A : i32 to vector<2048x1xi32>
    %sub3A_73 = arith.subi %broadcast_in_dim3A_71, %sub3A_72 : vector<2048x1xi32>
    %reduce_sum3A_74 = arith.constant dense<0> : vector<16xi32>
    %reduce_sum3A_75 = vector.multi_reduction <add>, %convert_element_type3A, %reduce_sum3A_74 [0] : vector<2048x16xi32> to vector<16xi32>
    %broadcast_in_dim3A_76 = vector.shape_cast %reduce_sum3A_75 : vector<16xi32> to vector<1x16xi32>
    %add3A_77 = arith.constant 128 : i32
    %add3A_78 = vector.broadcast %add3A_77 : i32 to vector<1x16xi32>
    %add3A_79 = arith.addi %broadcast_in_dim3A_76, %add3A_78 : vector<1x16xi32>
    %sub3A_80 = arith.constant 1 : i32
    %sub3A_81 = vector.broadcast %sub3A_80 : i32 to vector<1x16xi32>
    %sub3A_82 = arith.subi %add3A_79, %sub3A_81 : vector<1x16xi32>
    %jit3A_83 = arith.constant 128 : i32
    %div3A = vector.broadcast %jit3A_83 : i32 to vector<1x16xi32>
    %div3A_84 = arith.divsi %sub3A_82, %div3A : vector<1x16xi32>
    %sign3A = arith.constant 0 : i32
    %sign3A_85 = vector.broadcast %sign3A : i32 to vector<1x16xi32>
    %sign3A_86 = arith.cmpi sgt, %sub3A_82, %sign3A_85 : vector<1x16xi32>
    %sign3A_87 = arith.extui %sign3A_86 : vector<1x16xi1> to vector<1x16xi32>
    %sign3A_88 = arith.constant 0 : i32
    %sign3A_89 = vector.broadcast %sign3A_88 : i32 to vector<1x16xi32>
    %sign3A_90 = arith.cmpi slt, %sub3A_82, %sign3A_89 : vector<1x16xi32>
    %sign3A_91 = arith.extui %sign3A_90 : vector<1x16xi1> to vector<1x16xi32>
    %sign3A_92 = arith.subi %sign3A_87, %sign3A_91 : vector<1x16xi32>
    %sign3A_93 = arith.constant 0 : i32
    %sign3A_94 = arith.cmpi sgt, %jit3A_83, %sign3A_93 : i32
    %sign3A_95 = arith.extui %sign3A_94 : i1 to i32
    %sign3A_96 = arith.constant 0 : i32
    %sign3A_97 = arith.cmpi slt, %jit3A_83, %sign3A_96 : i32
    %sign3A_98 = arith.extui %sign3A_97 : i1 to i32
    %sign3A_99 = arith.subi %sign3A_95, %sign3A_98 : i32
    %ne3A = vector.broadcast %sign3A_99 : i32 to vector<1x16xi32>
    %ne3A_100 = arith.cmpi ne, %sign3A_92, %ne3A : vector<1x16xi32>
    %rem3A = vector.broadcast %jit3A_83 : i32 to vector<1x16xi32>
    %rem3A_101 = arith.remsi %sub3A_82, %rem3A : vector<1x16xi32>
    %ne3A_102 = arith.constant 0 : i32
    %ne3A_103 = vector.broadcast %ne3A_102 : i32 to vector<1x16xi32>
    %ne3A_104 = arith.cmpi ne, %rem3A_101, %ne3A_103 : vector<1x16xi32>
    %and3A = arith.andi %ne3A_100, %ne3A_104 : vector<1x16xi1>
    %sub3A_105 = arith.constant 1 : i32
    %sub3A_106 = vector.broadcast %sub3A_105 : i32 to vector<1x16xi32>
    %sub3A_107 = arith.subi %div3A_84, %sub3A_106 : vector<1x16xi32>
    %select_n3A_108 = arith.select %and3A, %sub3A_107, %div3A_84 : vector<1x16xi1>, vector<1x16xi32>
    %mul3A_109 = arith.constant 128 : i32
    %mul3A_110 = vector.broadcast %mul3A_109 : i32 to vector<1x16xi32>
    %mul3A_111 = arith.muli %select_n3A_108, %mul3A_110 : vector<1x16xi32>
    %broadcast_in_dim3A_112 = arith.constant 0 : i32
    %broadcast_in_dim3A_113 = vector.broadcast %broadcast_in_dim3A_112 : i32 to vector<1x1xi32>
    %slice3A_114 = vector.extract_strided_slice %mul3A_111 {offsets = [0, 0], sizes = [1, 15], strides = [1, 1]} : vector<1x16xi32> to vector<1x15xi32>
    %concatenate3A_115 = tpu.concatenate %broadcast_in_dim3A_113, %slice3A_114 in 1 : vector<1x1xi32>, vector<1x15xi32> -> vector<1x16xi32>
    %add3A_116 = arith.addi %mul3A_111, %concatenate3A_115 : vector<1x16xi32>
    %broadcast_in_dim3A_117 = arith.constant 0 : i32
    %broadcast_in_dim3A_118 = vector.broadcast %broadcast_in_dim3A_117 : i32 to vector<1x2xi32>
    %slice3A_119 = vector.extract_strided_slice %add3A_116 {offsets = [0, 0], sizes = [1, 14], strides = [1, 1]} : vector<1x16xi32> to vector<1x14xi32>
    %concatenate3A_120 = tpu.concatenate %broadcast_in_dim3A_118, %slice3A_119 in 1 : vector<1x2xi32>, vector<1x14xi32> -> vector<1x16xi32>
    %add3A_121 = arith.addi %add3A_116, %concatenate3A_120 : vector<1x16xi32>
    %broadcast_in_dim3A_122 = arith.constant 0 : i32
    %broadcast_in_dim3A_123 = vector.broadcast %broadcast_in_dim3A_122 : i32 to vector<1x4xi32>
    %slice3A_124 = vector.extract_strided_slice %add3A_121 {offsets = [0, 0], sizes = [1, 12], strides = [1, 1]} : vector<1x16xi32> to vector<1x12xi32>
    %concatenate3A_125 = tpu.concatenate %broadcast_in_dim3A_123, %slice3A_124 in 1 : vector<1x4xi32>, vector<1x12xi32> -> vector<1x16xi32>
    %add3A_126 = arith.addi %add3A_121, %concatenate3A_125 : vector<1x16xi32>
    %broadcast_in_dim3A_127 = arith.constant 0 : i32
    %broadcast_in_dim3A_128 = vector.broadcast %broadcast_in_dim3A_127 : i32 to vector<1x8xi32>
    %slice3A_129 = vector.extract_strided_slice %add3A_126 {offsets = [0, 0], sizes = [1, 8], strides = [1, 1]} : vector<1x16xi32> to vector<1x8xi32>
    %concatenate3A_130 = tpu.concatenate %broadcast_in_dim3A_128, %slice3A_129 in 1 : vector<1x8xi32>, vector<1x8xi32> -> vector<1x16xi32>
    %add3A_131 = arith.addi %add3A_126, %concatenate3A_130 : vector<1x16xi32>
    %sub3A_132 = arith.subi %add3A_131, %mul3A_111 : vector<1x16xi32>
    %mul3A_133 = vector.broadcast %sub3A_132 : vector<1x16xi32> to vector<2048x16xi32>
    %mul3A_134 = arith.muli %convert_element_type3A, %mul3A_133 : vector<2048x16xi32>
    %reduce_sum3A_135 = arith.constant dense<0> : vector<2048xi32>
    %reduce_sum3A_136 = vector.multi_reduction <add>, %mul3A_134, %reduce_sum3A_135 [1] : vector<2048x16xi32> to vector<2048xi32>
    %broadcast_in_dim3A_137 = vector.shape_cast %reduce_sum3A_136 : vector<2048xi32> to vector<2048x1xi32>
    %add3A_138 = arith.addi %broadcast_in_dim3A_137, %sub3A_73 : vector<2048x1xi32>
    %broadcast_in_dim3A_139 = vector.shape_cast %add3A_138 : vector<2048x1xi32> to vector<2048x1xi32>
    %broadcast_in_dim3A_140 = vector.broadcast %broadcast_in_dim3A_139 : vector<2048x1xi32> to vector<2048x128xi32>
    %swap3A = arith.constant 0 : index
    %swap3A_141 = arith.constant 0 : index
    %swap3A_142 = vector.load %arg3[%swap3A, %swap3A_141] : memref<2048x128xi32, #tpu.memory_space<vmem>>, vector<2048x128xi32>
    tpu.vector_store %arg3[%swap3A, %swap3A_141], %broadcast_in_dim3A_140 {strides = array<i32>} : memref<2048x128xi32, #tpu.memory_space<vmem>>, vector<2048x128xi32>,
    %reduce_sum3A_143 = arith.constant dense<0> : vector<1xi32>
    %reduce_sum3A_144 = vector.multi_reduction <add>, %mul3A_111, %reduce_sum3A_143 [1] : vector<1x16xi32> to vector<1xi32>
    %broadcast_in_dim3A_145 = vector.shape_cast %reduce_sum3A_144 : vector<1xi32> to vector<1x1xi32>
    %iota3A_146 = tpu.iota {dimensions = array<i32: 0>} : vector<32x16xi32>
    %mul3A_147 = arith.constant 128 : i32
    %mul3A_148 = vector.broadcast %mul3A_147 : i32 to vector<32x16xi32>
    %mul3A_149 = arith.muli %iota3A_146, %mul3A_148 : vector<32x16xi32>
    %sub3A_150 = arith.constant 128 : i32
    %sub3A_151 = vector.broadcast %sub3A_150 : i32 to vector<1x1xi32>
    %sub3A_152 = arith.subi %broadcast_in_dim3A_145, %sub3A_151 : vector<1x1xi32>
    %broadcast_in_dim3A_153 = vector.shape_cast %sub3A_152 : vector<1x1xi32> to vector<1x1xi32>
    %broadcast_in_dim3A_154 = vector.broadcast %broadcast_in_dim3A_153 : vector<1x1xi32> to vector<32x16xi32>
    %min3A = arith.minsi %mul3A_149, %broadcast_in_dim3A_154 : vector<32x16xi32>
    %broadcast_in_dim3A_155 = vector.shape_cast %sub3A_132 : vector<1x16xi32> to vector<1x16xi32>
    %broadcast_in_dim3A_156 = vector.broadcast %broadcast_in_dim3A_155 : vector<1x16xi32> to vector<32x16xi32>
    %le3A = arith.cmpi sle, %broadcast_in_dim3A_156, %min3A : vector<32x16xi32>
    %convert_element_type3A_157 = arith.extui %le3A : vector<32x16xi1> to vector<32x16xi32>
    %reduce_sum3A_158 = arith.constant dense<0> : vector<32xi32>
    %reduce_sum3A_159 = vector.multi_reduction <add>, %convert_element_type3A_157, %reduce_sum3A_158 [1] : vector<32x16xi32> to vector<32xi32>
    %broadcast_in_dim3A_160 = vector.shape_cast %reduce_sum3A_159 : vector<32xi32> to vector<32x1xi32>
    %sub3A_161 = arith.constant 1 : i32
    %sub3A_162 = vector.broadcast %sub3A_161 : i32 to vector<32x1xi32>
    %sub3A_163 = arith.subi %broadcast_in_dim3A_160, %sub3A_162 : vector<32x1xi32>
    %iota3A_164 = tpu.iota {dimensions = array<i32: 0>} : vector<32x1xi32>
    %mul3A_165 = arith.constant 128 : i32
    %mul3A_166 = vector.broadcast %mul3A_165 : i32 to vector<32x1xi32>
    %mul3A_167 = arith.muli %iota3A_164, %mul3A_166 : vector<32x1xi32>
    %lt3A = vector.broadcast %broadcast_in_dim3A_145 : vector<1x1xi32> to vector<32x1xi32>
    %lt3A_168 = arith.cmpi slt, %mul3A_167, %lt3A : vector<32x1xi32>
    %jit3A_169 = arith.constant 128 : i32
    %div3A_170 = vector.broadcast %jit3A_169 : i32 to vector<1x1xi32>
    %div3A_171 = arith.divsi %broadcast_in_dim3A_145, %div3A_170 : vector<1x1xi32>
    %sign3A_172 = arith.constant 0 : i32
    %sign3A_173 = vector.broadcast %sign3A_172 : i32 to vector<1x1xi32>
    %sign3A_174 = arith.cmpi sgt, %broadcast_in_dim3A_145, %sign3A_173 : vector<1x1xi32>
    %sign3A_175 = arith.extui %sign3A_174 : vector<1x1xi1> to vector<1x1xi32>
    %sign3A_176 = arith.constant 0 : i32
    %sign3A_177 = vector.broadcast %sign3A_176 : i32 to vector<1x1xi32>
    %sign3A_178 = arith.cmpi slt, %broadcast_in_dim3A_145, %sign3A_177 : vector<1x1xi32>
    %sign3A_179 = arith.extui %sign3A_178 : vector<1x1xi1> to vector<1x1xi32>
    %sign3A_180 = arith.subi %sign3A_175, %sign3A_179 : vector<1x1xi32>
    %sign3A_181 = arith.constant 0 : i32
    %sign3A_182 = arith.cmpi sgt, %jit3A_169, %sign3A_181 : i32
    %sign3A_183 = arith.extui %sign3A_182 : i1 to i32
    %sign3A_184 = arith.constant 0 : i32
    %sign3A_185 = arith.cmpi slt, %jit3A_169, %sign3A_184 : i32
    %sign3A_186 = arith.extui %sign3A_185 : i1 to i32
    %sign3A_187 = arith.subi %sign3A_183, %sign3A_186 : i32
    %ne3A_188 = vector.broadcast %sign3A_187 : i32 to vector<1x1xi32>
    %ne3A_189 = arith.cmpi ne, %sign3A_180, %ne3A_188 : vector<1x1xi32>
    %rem3A_190 = vector.broadcast %jit3A_169 : i32 to vector<1x1xi32>
    %rem3A_191 = arith.remsi %broadcast_in_dim3A_145, %rem3A_190 : vector<1x1xi32>
    %ne3A_192 = arith.constant 0 : i32
    %ne3A_193 = vector.broadcast %ne3A_192 : i32 to vector<1x1xi32>
    %ne3A_194 = arith.cmpi ne, %rem3A_191, %ne3A_193 : vector<1x1xi32>
    %and3A_195 = arith.andi %ne3A_189, %ne3A_194 : vector<1x1xi1>
    %sub3A_196 = arith.constant 1 : i32
    %sub3A_197 = vector.broadcast %sub3A_196 : i32 to vector<1x1xi32>
    %sub3A_198 = arith.subi %div3A_171, %sub3A_197 : vector<1x1xi32>
    %select_n3A_199 = arith.select %and3A_195, %sub3A_198, %div3A_171 : vector<1x1xi1>, vector<1x1xi32>
    %sub3A_200 = arith.constant 1 : i32
    %sub3A_201 = vector.broadcast %sub3A_200 : i32 to vector<1x1xi32>
    %sub3A_202 = arith.subi %select_n3A_199, %sub3A_201 : vector<1x1xi32>
    %min3A_203 = vector.broadcast %sub3A_202 : vector<1x1xi32> to vector<32x1xi32>
    %min3A_204 = arith.minsi %iota3A_164, %min3A_203 : vector<32x1xi32>
    %iota3A_205 = tpu.iota {dimensions = array<i32: 1>} : vector<32x16xi32>
    %eq3A_206 = vector.broadcast %sub3A_163 : vector<32x1xi32> to vector<32x16xi32>
    %eq3A_207 = arith.cmpi eq, %iota3A_205, %eq3A_206 : vector<32x16xi32>
    %convert_element_type3A_208 = arith.extui %eq3A_207 : vector<32x16xi1> to vector<32x16xi32>
    %add3A_209 = arith.addi %sub3A_132, %broadcast_in_dim3A_76 : vector<1x16xi32>
    %mul3A_210 = vector.broadcast %add3A_209 : vector<1x16xi32> to vector<32x16xi32>
    %mul3A_211 = arith.muli %convert_element_type3A_208, %mul3A_210 : vector<32x16xi32>
    %reduce_sum3A_212 = arith.constant dense<0> : vector<32xi32>
    %reduce_sum3A_213 = vector.multi_reduction <add>, %mul3A_211, %reduce_sum3A_212 [1] : vector<32x16xi32> to vector<32xi32>
    %broadcast_in_dim3A_214 = vector.shape_cast %reduce_sum3A_213 : vector<32xi32> to vector<32x1xi32>
    %mul3A_215 = arith.constant 128 : i32
    %mul3A_216 = vector.broadcast %mul3A_215 : i32 to vector<32x1xi32>
    %mul3A_217 = arith.muli %iota3A_164, %mul3A_216 : vector<32x1xi32>
    %sub3A_218 = arith.subi %broadcast_in_dim3A_214, %mul3A_217 : vector<32x1xi32>
    %jit3A_219 = arith.constant 0 : i32
    %jit3A_220 = arith.constant 128 : i32
    %max3A = vector.broadcast %jit3A_219 : i32 to vector<32x1xi32>
    %max3A_221 = arith.maxsi %max3A, %sub3A_218 : vector<32x1xi32>
    %min3A_222 = vector.broadcast %jit3A_220 : i32 to vector<32x1xi32>
    %min3A_223 = arith.minsi %min3A_222, %max3A_221 : vector<32x1xi32>
    %broadcast_in_dim3A_224 = vector.shape_cast %sub3A_163 : vector<32x1xi32> to vector<32x1xi32>
    %broadcast_in_dim3A_225 = vector.broadcast %broadcast_in_dim3A_224 : vector<32x1xi32> to vector<32x128xi32>
    %swap3A_226 = arith.constant 0 : index
    %swap3A_227 = arith.constant 0 : index
    %swap3A_228 = vector.load %arg4[%swap3A_226, %swap3A_227] : memref<32x128xi32, #tpu.memory_space<vmem>>, vector<32x128xi32>
    tpu.vector_store %arg4[%swap3A_226, %swap3A_227], %broadcast_in_dim3A_225 {strides = array<i32>} : memref<32x128xi32, #tpu.memory_space<vmem>>, vector<32x128xi32>,
    %convert_element_type3A_229 = arith.extui %lt3A_168 : vector<32x1xi1> to vector<32x1xi32>
    %broadcast_in_dim3A_230 = vector.shape_cast %convert_element_type3A_229 : vector<32x1xi32> to vector<32x1xi32>
    %broadcast_in_dim3A_231 = vector.broadcast %broadcast_in_dim3A_230 : vector<32x1xi32> to vector<32x128xi32>
    %swap3A_232 = arith.constant 0 : index
    %swap3A_233 = arith.constant 0 : index
    %swap3A_234 = vector.load %arg5[%swap3A_232, %swap3A_233] : memref<32x128xi32, #tpu.memory_space<vmem>>, vector<32x128xi32>
    tpu.vector_store %arg5[%swap3A_232, %swap3A_233], %broadcast_in_dim3A_231 {strides = array<i32>} : memref<32x128xi32, #tpu.memory_space<vmem>>, vector<32x128xi32>,
    %broadcast_in_dim3A_235 = vector.shape_cast %min3A_204 : vector<32x1xi32> to vector<32x1xi32>
    %broadcast_in_dim3A_236 = vector.broadcast %broadcast_in_dim3A_235 : vector<32x1xi32> to vector<32x128xi32>
    %swap3A_237 = arith.constant 0 : index
    %swap3A_238 = arith.constant 0 : index
    %swap3A_239 = vector.load %arg6[%swap3A_237, %swap3A_238] : memref<32x128xi32, #tpu.memory_space<vmem>>, vector<32x128xi32>
    tpu.vector_store %arg6[%swap3A_237, %swap3A_238], %broadcast_in_dim3A_236 {strides = array<i32>} : memref<32x128xi32, #tpu.memory_space<vmem>>, vector<32x128xi32>,
    %broadcast_in_dim3A_240 = vector.shape_cast %min3A_223 : vector<32x1xi32> to vector<32x1xi32>
    %broadcast_in_dim3A_241 = vector.broadcast %broadcast_in_dim3A_240 : vector<32x1xi32> to vector<32x128xi32>
    %swap3A_242 = arith.constant 0 : index
    %swap3A_243 = arith.constant 0 : index
    %swap3A_244 = vector.load %arg7[%swap3A_242, %swap3A_243] : memref<32x128xi32, #tpu.memory_space<vmem>>, vector<32x128xi32>
    tpu.vector_store %arg7[%swap3A_242, %swap3A_243], %broadcast_in_dim3A_241 {strides = array<i32>} : memref<32x128xi32, #tpu.memory_space<vmem>>, vector<32x128xi32>,
    return
  }
}

module attributes {stable_mosaic.version = 14 : i64} {
  func.func @_moe_kernel(%arg0: i32, %arg1: memref<32xi32, #tpu.memory_space<smem>>, %arg2: memref<32xi32, #tpu.memory_space<smem>>, %arg3: memref<32xi32, #tpu.memory_space<smem>>, %arg4: memref<32xi32, #tpu.memory_space<smem>>, %arg5: memref<2048x128xi32, #tpu.memory_space<vmem>>, %arg6: memref<128x1024xf32, #tpu.memory_space<vmem>>, %arg7: memref<1x1024x1024xf32, #tpu.memory_space<vmem>>, %arg8: memref<1x1024x1024xf32, #tpu.memory_space<vmem>>, %arg9: memref<2048x1024xf32, #tpu.memory_space<vmem>>) attributes {dimension_semantics = [#tpu.dimension_semantics<arbitrary>], iteration_bounds = array<i64: 32>, scalar_prefetch = 4 : i64, scratch_operands = 0 : i64, tpu.core_type = #tpu.core_type<tc>, window_params = [{pipeline_mode = #tpu.pipeline_mode<synchronous>, transform_indices = @transform_0, window_bounds = array<i64: 2048, 128>}, {transform_indices = @transform_1, window_bounds = array<i64: 128, 1024>}, {transform_indices = @transform_2, window_bounds = array<i64: 1, 1024, 1024>}, {transform_indices = @transform_3, window_bounds = array<i64: 1, 1024, 1024>}, {pipeline_mode = #tpu.pipeline_mode<synchronous>, transform_indices = @transform_4, window_bounds = array<i64: 2048, 1024>}]} {
    %eq3A = arith.constant 0 : i32
    %eq3A_0 = arith.cmpi eq, %arg0, %eq3A : i32
    %convert_element_type3A = arith.extui %eq3A_0 : i1 to i32
    %cond3A = arith.constant 0 : i32
    %cond3A_1 = arith.cmpi ne, %convert_element_type3A, %cond3A : i32
    scf.if %cond3A_1 {
      %broadcast_in_dim3A = arith.constant 0.000000e+00 : f32
      %broadcast_in_dim3A_8 = vector.broadcast %broadcast_in_dim3A : f32 to vector<2048x1024xf32>
      %swap3A = arith.constant 0 : index
      %swap3A_9 = arith.constant 0 : index
      %swap3A_10 = vector.load %arg9[%swap3A, %swap3A_9] : memref<2048x1024xf32, #tpu.memory_space<vmem>>, vector<2048x1024xf32>
      tpu.vector_store %arg9[%swap3A, %swap3A_9], %broadcast_in_dim3A_8 {strides = array<i32>} : memref<2048x1024xf32, #tpu.memory_space<vmem>>, vector<2048x1024xf32>,
    } else {
    }
    %get3A = arith.index_cast %arg0 : i32 to index
    %get3A_2 = memref.load %arg2[%get3A] : memref<32xi32, #tpu.memory_space<smem>>
    %eq3A_3 = arith.constant 1 : i32
    %eq3A_4 = arith.cmpi eq, %get3A_2, %eq3A_3 : i32
    %convert_element_type3A_5 = arith.extui %eq3A_4 : i1 to i32
    %cond3A_6 = arith.constant 0 : i32
    %cond3A_7 = arith.cmpi ne, %convert_element_type3A_5, %cond3A_6 : i32
    scf.if %cond3A_7 {
      %iota3A = tpu.iota {dimensions = array<i32: 0>} : vector<128x1xi32>
      %get3A_8 = arith.index_cast %arg0 : i32 to index
      %get3A_9 = memref.load %arg4[%get3A_8] : memref<32xi32, #tpu.memory_space<smem>>
      %lt3A = vector.broadcast %get3A_9 : i32 to vector<128x1xi32>
      %lt3A_10 = arith.cmpi slt, %iota3A, %lt3A : vector<128x1xi32>
      %get3A_11 = arith.constant 0 : index
      %get3A_12 = arith.constant 0 : index
      %get3A_13 = vector.load %arg6[%get3A_11, %get3A_12] : memref<128x1024xf32, #tpu.memory_space<vmem>>, vector<128x1024xf32>
      %jit3A = arith.constant 0.000000e+00 : f32
      %broadcast_in_dim3A = vector.shape_cast %lt3A_10 : vector<128x1xi1> to vector<128x1xi1>
      %broadcast_in_dim3A_14 = vector.broadcast %broadcast_in_dim3A : vector<128x1xi1> to vector<128x1024xi1>
      %broadcast_in_dim3A_15 = vector.broadcast %jit3A : f32 to vector<128x1024xf32>
      %select_n3A = arith.select %broadcast_in_dim3A_14, %get3A_13, %broadcast_in_dim3A_15 : vector<128x1024xi1>, vector<128x1024xf32>
      %get3A_16 = arith.constant 0 : index
      %get3A_17 = arith.constant 0 : index
      %get3A_18 = arith.constant 0 : index
      %get3A_19 = vector.load %arg7[%get3A_16, %get3A_17, %get3A_18] : memref<1x1024x1024xf32, #tpu.memory_space<vmem>>, vector<1x1024x1024xf32>
      %get3A_20 = vector.shape_cast %get3A_19 : vector<1x1024x1024xf32> to vector<1024x1024xf32>
      %dot_general3A = arith.constant dense<0.000000e+00> : vector<128x1024xf32>
      %dot_general3A_21 = tpu.matmul %select_n3A, %get3A_20, %dot_general3A {dimension_numbers = #tpu.dot_dimension_numbers<[1], [0], [0], [1], [0, 0, 1, 1], [], []>, transpose_lhs_hint = false} : vector<128x1024xf32>, vector<1024x1024xf32>, vector<128x1024xf32> -> vector<128x1024xf32>
      %get3A_22 = arith.constant 0 : index
      %get3A_23 = arith.constant 0 : index
      %get3A_24 = arith.constant 0 : index
      %get3A_25 = vector.load %arg8[%get3A_22, %get3A_23, %get3A_24] : memref<1x1024x1024xf32, #tpu.memory_space<vmem>>, vector<1x1024x1024xf32>
      %get3A_26 = vector.shape_cast %get3A_25 : vector<1x1024x1024xf32> to vector<1024x1024xf32>
      %dot_general3A_27 = arith.constant dense<0.000000e+00> : vector<128x1024xf32>
      %dot_general3A_28 = tpu.matmul %select_n3A, %get3A_26, %dot_general3A_27 {dimension_numbers = #tpu.dot_dimension_numbers<[1], [0], [0], [1], [0, 0, 1, 1], [], []>, transpose_lhs_hint = false} : vector<128x1024xf32>, vector<1024x1024xf32>, vector<128x1024xf32> -> vector<128x1024xf32>
      %neg3A = arith.constant 0.000000e+00 : f32
      %neg3A_29 = vector.broadcast %neg3A : f32 to vector<128x1024xf32>
      %neg3A_30 = arith.subf %neg3A_29, %dot_general3A_28 : vector<128x1024xf32>
      %exp3A = math.exp %neg3A_30 : vector<128x1024xf32>
      %add3A = arith.constant 1.000000e+00 : f32
      %add3A_31 = vector.broadcast %add3A : f32 to vector<128x1024xf32>
      %add3A_32 = arith.addf %add3A_31, %exp3A : vector<128x1024xf32>
      %div3A = arith.constant 1.000000e+00 : f32
      %div3A_33 = vector.broadcast %div3A : f32 to vector<128x1024xf32>
      %div3A_34 = arith.divf %div3A_33, %add3A_32 : vector<128x1024xf32>
      %mul3A = arith.mulf %dot_general3A_28, %div3A_34 : vector<128x1024xf32>
      %mul3A_35 = arith.mulf %dot_general3A_21, %mul3A : vector<128x1024xf32>
      %get3A_36 = arith.constant 0 : index
      %get3A_37 = arith.constant 0 : index
      %get3A_38 = vector.load %arg5[%get3A_36, %get3A_37] : memref<2048x128xi32, #tpu.memory_space<vmem>>, vector<2048x1xi32>
      %iota3A_39 = tpu.iota {dimensions = array<i32: 1>} : vector<2048x128xi32>
      %mul3A_40 = arith.constant 128 : i32
      %mul3A_41 = arith.muli %arg0, %mul3A_40 : i32
      %add3A_42 = vector.broadcast %mul3A_41 : i32 to vector<2048x128xi32>
      %add3A_43 = arith.addi %iota3A_39, %add3A_42 : vector<2048x128xi32>
      %eq3A_44 = vector.broadcast %get3A_38 : vector<2048x1xi32> to vector<2048x128xi32>
      %eq3A_45 = arith.cmpi eq, %eq3A_44, %add3A_43 : vector<2048x128xi32>
      %convert_element_type3A_46 = arith.extui %eq3A_45 : vector<2048x128xi1> to vector<2048x128xi32>
      %convert_element_type3A_47 = arith.sitofp %convert_element_type3A_46 : vector<2048x128xi32> to vector<2048x128xf32>
      %get3A_48 = arith.constant 0 : index
      %get3A_49 = arith.constant 0 : index
      %get3A_50 = vector.load %arg9[%get3A_48, %get3A_49] : memref<2048x1024xf32, #tpu.memory_space<vmem>>, vector<2048x1024xf32>
      %dot_general3A_51 = arith.constant dense<0.000000e+00> : vector<2048x1024xf32>
      %dot_general3A_52 = tpu.matmul %convert_element_type3A_47, %mul3A_35, %dot_general3A_51 {dimension_numbers = #tpu.dot_dimension_numbers<[1], [0], [0], [1], [0, 0, 1, 1], [], []>, transpose_lhs_hint = false} : vector<2048x128xf32>, vector<128x1024xf32>, vector<2048x1024xf32> -> vector<2048x1024xf32>
      %add3A_53 = arith.addf %get3A_50, %dot_general3A_52 : vector<2048x1024xf32>
      %swap3A = arith.constant 0 : index
      %swap3A_54 = arith.constant 0 : index
      %swap3A_55 = vector.load %arg9[%swap3A, %swap3A_54] : memref<2048x1024xf32, #tpu.memory_space<vmem>>, vector<2048x1024xf32>
      tpu.vector_store %arg9[%swap3A, %swap3A_54], %add3A_53 {strides = array<i32>} : memref<2048x1024xf32, #tpu.memory_space<vmem>>, vector<2048x1024xf32>,
    } else {
    }
    return
  }
  func.func @transform_0(%arg0: i32, %arg1: memref<32xi32, #tpu.memory_space<smem>>, %arg2: memref<32xi32, #tpu.memory_space<smem>>, %arg3: memref<32xi32, #tpu.memory_space<smem>>, %arg4: memref<32xi32, #tpu.memory_space<smem>>) -> (i32, i32) {
    %c0_i32 = arith.constant 0 : i32
    %c0_i32_0 = arith.constant 0 : i32
    %c0_i32_1 = arith.constant 0 : i32
    return %c0_i32, %c0_i32_0 : i32, i32
  }
  func.func @transform_1(%arg0: i32, %arg1: memref<32xi32, #tpu.memory_space<smem>>, %arg2: memref<32xi32, #tpu.memory_space<smem>>, %arg3: memref<32xi32, #tpu.memory_space<smem>>, %arg4: memref<32xi32, #tpu.memory_space<smem>>) -> (i32, i32) {
    %get3A = arith.index_cast %arg0 : i32 to index
    %get3A_0 = memref.load %arg3[%get3A] : memref<32xi32, #tpu.memory_space<smem>>
    %c0_i32 = arith.constant 0 : i32
    %c0_i32_1 = arith.constant 0 : i32
    return %get3A_0, %c0_i32 : i32, i32
  }
  func.func @transform_2(%arg0: i32, %arg1: memref<32xi32, #tpu.memory_space<smem>>, %arg2: memref<32xi32, #tpu.memory_space<smem>>, %arg3: memref<32xi32, #tpu.memory_space<smem>>, %arg4: memref<32xi32, #tpu.memory_space<smem>>) -> (i32, i32, i32) {
    %get3A = arith.index_cast %arg0 : i32 to index
    %get3A_0 = memref.load %arg1[%get3A] : memref<32xi32, #tpu.memory_space<smem>>
    %c0_i32 = arith.constant 0 : i32
    %c0_i32_1 = arith.constant 0 : i32
    %c0_i32_2 = arith.constant 0 : i32
    return %get3A_0, %c0_i32, %c0_i32_1 : i32, i32, i32
  }
  func.func @transform_3(%arg0: i32, %arg1: memref<32xi32, #tpu.memory_space<smem>>, %arg2: memref<32xi32, #tpu.memory_space<smem>>, %arg3: memref<32xi32, #tpu.memory_space<smem>>, %arg4: memref<32xi32, #tpu.memory_space<smem>>) -> (i32, i32, i32) {
    %get3A = arith.index_cast %arg0 : i32 to index
    %get3A_0 = memref.load %arg1[%get3A] : memref<32xi32, #tpu.memory_space<smem>>
    %c0_i32 = arith.constant 0 : i32
    %c0_i32_1 = arith.constant 0 : i32
    %c0_i32_2 = arith.constant 0 : i32
    return %get3A_0, %c0_i32, %c0_i32_1 : i32, i32, i32
  }
  func.func @transform_4(%arg0: i32, %arg1: memref<32xi32, #tpu.memory_space<smem>>, %arg2: memref<32xi32, #tpu.memory_space<smem>>, %arg3: memref<32xi32, #tpu.memory_space<smem>>, %arg4: memref<32xi32, #tpu.memory_space<smem>>) -> (i32, i32) {
    %c0_i32 = arith.constant 0 : i32
    %c0_i32_0 = arith.constant 0 : i32
    %c0_i32_1 = arith.constant 0 : i32
    return %c0_i32, %c0_i32_0 : i32, i32
  }
}

</mosaic_0001>

<sc_bundles>
// kernel: kernel.5.cloned.1.call-start
scs
__scs_entry_jumppad:
0x0: {  	(pc) =	sbr.rel $0x88, $3  }
0x1: {  	(tag) =	ssettag $0x0;
	lr =	simm.s32 $0x1  }
0x2: {  	[smem:$0x3F9C] =	sst lr;
	_ =	strace $0xD0000000  }
0x3: {  	_ = 	snop  }
0x4: {  	_ = 	snop  }
0x5: {  	_ = 	snop  }
0x6: {  	_ = 	snop  }
0x7: {  	_ = 	snop  }
__scs_overlays_trampoline_lowered:
0x8: {  	[smem:$0x3FAB] =	sst s0  }
0x9: {  	[smem:$0x3FAC] =	sst s1  }
0xa: {  	[smem:$0x3FAD] =	sst s2  }
0xb: {  	[smem:$0x3FAE] =	sst s3  }
0xc: {  	[smem:$0x3FAF] =	sst s4  }
0xd: {  	[smem:$0x3FB0] =	sst s5  }
0xe: {  	[smem:$0x3FB1] =	sst s6  }
0xf: {  	[smem:$0x3FB2] =	sst s7  }
0x10: {  	[smem:$0x3FB3] =	sst s8  }
0x11: {  	[smem:$0x3FB4] =	sst s9;
	s0 =	simm.s32 @!p0 $0x0  }
0x12: {  	s1 =	sld [smem:$0x3F9A];
	s0 =	simm.s32 @p0 $0x1  }
0x13: {  	[smem:$0x3FB5] =	sst s0;
	s0 =	simm.s32 @!p1 $0x0  }
0x14: {  	s2 =	sld [smem:$0x3F99];
	s0 =	simm.s32 @p1 $0x1  }
0x15: {  	[smem:$0x3FB6] =	sst s0;
	s0 =	simm.s32 @!p2 $0x0  }
0x16: {  	s3 =	sld [smem:$0x3FDB];
	s0 =	simm.s32 @p2 $0x1  }
0x17: {  	s4 =	simm.s32 $0x1BF5;
	[smem:$0x3FB8] =	sst s0  }
0x18: {  	s0 =	sld [smem:$0x3F9B];
	_ =	swait.ge [sflag:s4], $0x0  }
0x19: {  	s7 =	sld [smem:$0x3F9C]  }
0x1a: {  	s8 =	sadd.s32 $0xFFFFE003, lr  }
0x1b: {  	s9 =	sadd.s32 $0xFFFFFEF7, lr;
	s5 =	simm.s32 $0xFFFFFFFF;
	p2 =	slt.u32 s8, $0xFFFFF086  }
0x1c: {  	p1 =	slt.u32 s9, $0xF7A;
	s5 =	simm.s32 @!p2 $0x0  }
0x1d: {  	s5 =	simm.s32 @p1 $0x1;
	p0 =	seq.s32 s7, s2  }
0x1e: {  	s7 =	smul.u32 @!p0 $0xF7A, s2;
	p2 =	seq.s32 @!p0 s5, $0x0  }
0x1f: {  	s9 =	smul.u32 $0xF7A, s1;
	s8 =	simm.s32 @!p0 $0x1BF5;
	p2 =	por !p2, p0  }
0x20: {  	[sflag:s8] =	ssyncset.s32 @!p0 $0xFFFFF086;
	s6 =	sadd.s32 @!p0 s3, s7;
	s7 =	simm.s32 @!p0 $0x108  }
0x21: {  	s3 =	sadd.s32 s3, s9;
	s6 =	sadd.s32 @!p0 $0x88, s6;
	s7 =	simm.s32 @p2 $0x1082  }
0x22: {  	[simem:s7], [sflag:s8] =	dma.local @!p0 [hbm:s6], $0xF7A  }
0x23: {  	s9 =	sor.u32 $0xD0000000, s2;
	s6 =	simm.s32 $0x108;
	_ =	swait.ge @!p0 [sflag:s8], $0x0  }
0x24: {  	s3 =	sadd.s32 $0x88, s3;
	s6 =	simm.s32 @!p1 $0x1082;
	[sflag:s4] =	ssyncset.s32 $0xFFFFF086  }
0x25: {  	[simem:s6], [sflag:s4] =	dma.local [hbm:s3], $0xF7A  }
0x26: {  	[smem:$0x3F9C] =	sst s1;
	(tag) =	ssettag s2;
	_ =	strace s9  }
0x27: {  	s1 =	sld [smem:$0x3FAC]  }
0x28: {  	s2 =	sld [smem:$0x3FAD]  }
0x29: {  	s4 =	sld [smem:$0x3FAF]  }
0x2a: {  	p0 =	seq.s32 s5, $0x0;
	s5 =	sld [smem:$0x3FB0]  }
0x2b: {  	s6 =	sld [smem:$0x3FB1]  }
0x2c: {  	s7 =	sld [smem:$0x3FB2]  }
0x2d: {  	s3 =	simm.s32 $0x108;
	s8 =	sld [smem:$0x3FB3]  }
0x2e: {  	s3 =	simm.s32 @!p0 $0x1082;
	s9 =	sld [smem:$0x3FB4]  }
0x2f: {  	lr =	sadd.s32 s0, s3;
	s0 =	sld [smem:$0x3FAB]  }
0x30: {  	s3 =	sld [smem:$0x3FAE]  }
0x31: {  	[smem:$0x3FB7] =	sst s10  }
0x32: {  	s10 =	sld [smem:$0x3FB5];
	_ =	sdelay $0x3  }
0x33: {  	p0 =	seq.s32 s10, $0x1;
	s10 =	sld [smem:$0x3FB7];
	_ =	sdelay $0x3  }
0x34: {  	[smem:$0x3FB7] =	sst s10  }
0x35: {  	s10 =	sld [smem:$0x3FB6];
	_ =	sdelay $0x3  }
0x36: {  	p1 =	seq.s32 s10, $0x1;
	s10 =	sld [smem:$0x3FB7];
	_ =	sdelay $0x3  }
0x37: {  	[smem:$0x3FB7] =	sst s10  }
0x38: {  	s10 =	sld [smem:$0x3FB8]  }
0x39: {  	_ = 	snop;
	(pc) =	sbr.ind lr, $3  }
0x3a: {  	_ = 	snop  }
0x3b: {  	_ = 	snop  }
0x3c: {  	p2 =	seq.s32 s10, $0x1;
	s10 =	sld [smem:$0x3FB7]  }
0x3d: {  	_ =	shalt  }
0x3e: {  	_ =	shalt  }
0x3f: {  	_ =	shalt  }
0x40: {  	_ =	shalt  }
0x41: {  	_ =	shalt  }
0x42: {  	_ =	shalt  }
0x43: {  	_ =	shalt  }
0x44: {  	_ =	shalt  }
0x45: {  	_ =	shalt  }
0x46: {  	_ =	shalt  }
0x47: {  	_ =	shalt  }
0x48: {  	_ =	shalt  }
0x49: {  	_ =	shalt  }
0x4a: {  	_ =	shalt  }
0x4b: {  	_ =	shalt  }
0x4c: {  	_ =	shalt  }
0x4d: {  	_ =	shalt  }
0x4e: {  	_ =	shalt  }
0x4f: {  	_ =	shalt  }
0x50: {  	_ =	shalt  }
0x51: {  	_ =	shalt  }
0x52: {  	_ =	shalt  }
0x53: {  	_ =	shalt  }
0x54: {  	_ =	shalt  }
0x55: {  	_ =	shalt  }
0x56: {  	_ =	shalt  }
0x57: {  	_ =	shalt  }
0x58: {  	_ =	shalt  }
0x59: {  	_ =	shalt  }
0x5a: {  	_ =	shalt  }
0x5b: {  	_ =	shalt  }
0x5c: {  	_ =	shalt  }
0x5d: {  	_ =	shalt  }
0x5e: {  	_ =	shalt  }
0x5f: {  	_ =	shalt  }
0x60: {  	_ =	shalt  }
0x61: {  	_ =	shalt  }
0x62: {  	_ =	shalt  }
0x63: {  	_ =	shalt  }
0x64: {  	_ =	shalt  }
0x65: {  	_ =	shalt  }
0x66: {  	_ =	shalt  }
0x67: {  	_ =	shalt  }
0x68: {  	_ =	shalt  }
0x69: {  	_ =	shalt  }
0x6a: {  	_ =	shalt  }
0x6b: {  	_ =	shalt  }
0x6c: {  	_ =	shalt  }
0x6d: {  	_ =	shalt  }
0x6e: {  	_ =	shalt  }
0x6f: {  	_ =	shalt  }
0x70: {  	_ =	shalt  }
0x71: {  	_ =	shalt  }
0x72: {  	_ =	shalt  }
0x73: {  	_ =	shalt  }
0x74: {  	_ =	shalt  }
0x75: {  	_ =	shalt  }
0x76: {  	_ =	shalt  }
0x77: {  	_ =	shalt  }
0x78: {  	_ =	shalt  }
0x79: {  	_ =	shalt  }
0x7a: {  	_ =	shalt  }
0x7b: {  	_ =	shalt  }
0x7c: {  	_ =	shalt  }
0x7d: {  	_ =	shalt  }
0x7e: {  	_ =	shalt  }
0x7f: {  	_ =	shalt  }
0x80: {  	_ =	shalt  }
0x81: {  	_ =	shalt  }
0x82: {  	_ =	shalt  }
0x83: {  	_ =	shalt  }
0x84: {  	_ =	shalt  }
0x85: {  	_ =	shalt  }
0x86: {  	_ =	shalt  }
0x87: {  	_ =	shalt  }
.Lfunc_end0:
.L_simem_size_0:
called_computation_lowered:
.L_overlay_start_0:
0x88: {  	s2 =	sld [smem:$0x3FD9]  }
0x89: {  	s3 =	sld [smem:$0x3FFE];
	_ =	sdelay $0x1  }
0x8a: {  	s1 =	srdreg.scid  }
0x8b: {  	s0 =	sand.u32 $0x1, s1  }
0x8c: {  	s17 =	sshll.u32 s0, $0xA;
	s2 =	sadd.s32 s3, s2  }
0x8d: {  	s2 =	sadd.s32 s2, s17  }
0x8e: {  	[smem:$0x3FC3] =	sst s2  }
0x8f: {  	_ = 	snop  }
0x90: {  	s2 =	sld [smem:$0x3FC9]  }
0x91: {  	s18 =	sld [smem:$0x3FD0];
	(tm) =	ssettm $0x1  }
0x92: {  	s4 =	sld [smem:$0x3FFB];
	_ =	sdelay $0x3  }
0x93: {  	_ =	strace s4  }
0x94: {  	s4 =	sld [smem:$0x3FFC];
	_ =	sdelay $0x3  }
0x95: {  	_ =	strace s4  }
0x96: {  	s4 =	sld [smem:$0x3FFD];
	_ =	sdelay $0x3  }
0x97: {  	_ =	strace s4  }
0x98: {  	_ =	strace $0x8FFFFFFF  }
0x99: {  	s19 =	sld [smem:$0x3FDB];
	_ =	sdelay $0x1  }
0x9a: {  	s5 =	simm.s32 $_scs_section_size  }
0x9b: {  	s6 =	simm.s32 $_size__tile_overlayer_lowered;
	s7 =	simm.s32 $_tile_overlayer_lowered  }
0x9c: {  	s22 =	simm.s32 $0x1BFF;
	s21 =	sshll.u32 s7, $0x1;
	s4 =	sadd.s32 s5, s19  }
0x9d: {  	s8 =	simm.s32 $0x0;
	s20 =	sshll.u32 s6, $0x1;
	s6 =	sadd.s32 s21, s4  }
0x9e: {  	[timem:s8], [sflag:s22] =	dma.local [hbm:s6], s20  }
0x9f: {  	_ =	swait.ge [sflag:s22], s20  }
0xa0: {  	s5 =	ssub.s32 $0x0, s20;
	[sflag:s22] =	ssyncset.done $0x0  }
0xa1: {  	[sflag:s22] =	ssyncadd.s32 s5;
	_ =	sdelay $0x1  }
0xa2: {  	s23 =	simm.s32 $0x1B8B  }
0xa3: {  	_ =	swait.ge [sflag:s23], $0x1  }
0xa4: {  	[sflag:s23] =	ssyncset.done $0x0  }
0xa5: {  	s25 =	simm.s32 $0x1B8E;
	s24 =	sld [smem:$0x3FFE];
	[sflag:s23] =	ssyncadd.s32 $0xFFFFFFFF  }
0xa6: {  	s26 =	simm.s32 $execute0_lowered;
	[smem:$0x3FD2] =	sst s25  }
0xa7: {  	s6 =	sshll.u32 s26, $0x1;
	_ =	strace $0x80000046;
	[dreg:$0x1] =	wrdreg $0xFFFFFFFF  }
0xa8: {  	s28 =	simm.s32 $_size_execute0_lowered;
	s4 =	sadd.s32 s4, s6;
	[dreg:$0x0] =	wrdreg $0x0  }
0xa9: {  	s6 =	sshll.u32 s28, $0x1;
	[dreg:$0x2] =	wrdreg s4  }
0xaa: {  	[dreg:$0x3] =	wrdreg s6  }
0xab: {  	[dreg:$0x4] =	wrdreg $0xC0  }
0xac: {  	_ =	task [dreg:s8], $0x5FFFF  }
0xad: {  	[dreg:$0x1] =	wrdreg $0xFFFFFFFF  }
0xae: {  	[dreg:$0x0] =	wrdreg $0x60  }
0xaf: {  	[dreg:$0x2] =	wrdreg s2  }
0xb0: {  	[dreg:$0x3] =	wrdreg s18  }
0xb1: {  	[dreg:$0x4] =	wrdreg s24  }
0xb2: {  	[dreg:$0x5] =	wrdreg $0x9  }
0xb3: {  	_ =	task.clear_ibuf [dreg:s8], $0x6FFFF;
	_ =	strace $0x90000046  }
0xb4: {  	s29 =	simm.s32 $0x9;
	_ =	strace $0x80000048  }
0xb5: {  	_ =	swait.ge [sflag:s29], $0x1  }
0xb6: {  	[sflag:s29] =	ssyncadd.s32 $0xFFFFFFFF  }
0xb7: {  	_ =	strace $0x90000048  }
0xb8: {  	_ =	sfence  }
0xb9: {  	s30 =	sld [smem:$0x0];
	_ =	sdelay $0x2  }
0xba: {  	s31 =	sshll.u32 s1, $0xD;
	s1 =	sshrl.u32 s1, $0x2  }
0xbb: {  	s3 =	sand.u32 $0x4000, s31;
	s1 =	sadd.s32 s1, s30  }
0xbc: {  	s0 =	sor.u32 s3, s0;
	s1 =	sshll.u32 s1, $0x11  }
0xbd: {  	s0 =	sor.u32 s1, s0  }
0xbe: {  	s0 =	sadd.s32 $0x8F2B, s0  }
0xbf: {  	[sflag:s0] =	ssyncadd.remote.s32 $0x1  }
0xc0: {  	_ =	sfence.sel $0xFFFF  }
0xc1: {  	[dreg:$0x0] =	wrdreg $0xFFFFFFFF;
	(pc) =	sbr.abs _section_cstart, $3  }
0xc2: {  	[dreg:$0x1] =	wrdreg $0xFFFFFFFF  }
0xc3: {  	_ =	task.clear_ibuf [dreg:s8], $0x2FFFF;
	_ =	strace $0x9FFFFFFF  }
0xc4: {  	(tm) =	ssettm $0x7FFFFFFF  }
0xc5: {  	_ =	shalt  }
tec
execute0_lowered:
.L_overlay_start_1:
0x0: {  	(tag) =	ssettag $0x1  }
0x1: {  	s1 =	rddreg [dreg:$0x0]  }
0x2: {  	s2 =	srdreg.scid;
	s4 =	rddreg [dreg:$0x1]  }
0x3: {  	s3 =	simm.s32 $0x0;
	s5 =	sand.u32 $0x1, s2;
	s2 =	rddreg [dreg:$0x2]  }
0x4: {  	s13 =	simm.s32 $0x80;
	[smem:$0x7FF] =	sst s3  }
0x5: {  	s15 =	simm.s32 $0x900;
	_ =	strace $0x80000047;
	[dreg:$0x8] =	wrdreg s13  }
0x6: {  	s16 =	simm.s32 $0x1100;
	[dreg:$0x9] =	wrdreg s15  }
0x7: {  	s0 =	stileid.u32;
	s18 =	simm.s32 $0x1900;
	[dreg:$0xa] =	wrdreg s16  }
0x8: {  	s19 =	simm.s32 $0x2100;
	s20 =	simm.s32 $0x2900;
	[dreg:$0xb] =	wrdreg s18  }
0x9: {  	s21 =	simm.s32 $0x3100;
	s22 =	simm.s32 $0x3900;
	[dreg:$0xc] =	wrdreg s19  }
0xa: {  	s23 =	simm.s32 $0x4100;
	s24 =	simm.s32 $0x4900;
	[dreg:$0xd] =	wrdreg s20  }
0xb: {  	s10 =	simm.s32 $0x8100;
	s25 =	simm.s32 $0x5100;
	[dreg:$0xe] =	wrdreg s21  }
0xc: {  	s26 =	simm.s32 $0x5900;
	s28 =	simm.s32 $0xE100;
	[dreg:$0xf] =	wrdreg s22  }
0xd: {  	s29 =	simm.s32 $0xE900;
	s30 =	simm.s32 $0xF100;
	[dreg:$0x10] =	wrdreg s23  }
0xe: {  	s31 =	simm.s32 $0xF900;
	s6 =	sshll.u32 s0, $0x7;
	[dreg:$0x11] =	wrdreg s24  }
0xf: {  	s7 =	sshll.u32 s5, $0x6;
	s14 =	ssub.s32 $0x2, s5;
	[dreg:$0x12] =	wrdreg s25  }
0x10: {  	[dreg:$0x13] =	wrdreg s26;
	s13 =	simm.s32 $0x6900;
	s15 =	simm.s32 $0x7900  }
0x11: {  	s16 =	simm.s32 $0x8900;
	s18 =	simm.s32 $0x9900;
	s19 =	simm.s32 $0xA100  }
0x12: {  	s20 =	simm.s32 $0xA900;
	s21 =	simm.s32 $0xB100;
	s22 =	simm.s32 $0xB900  }
0x13: {  	s23 =	simm.s32 $0xC100;
	s24 =	simm.s32 $0xC900;
	s25 =	simm.s32 $0xD100  }
0x14: {  	s26 =	simm.s32 $0xD900;
	s6 =	sor.u32 s7, s6;
	s5 =	sshrl.u32 s14, $0x1  }
0x15: {  	s7 =	sshrl.u32 s6, $0x3;
	s8 =	sor.u32 $0x20, s6;
	s6 =	sshll.u32 s6, $0x7  }
0x16: {  	s17 =	ssub.s32 s14, s5;
	s5 =	sadd.s32 $0x200, s2;
	s14 =	simm.s32 $0x7100  }
0x17: {  	s7 =	sadd.s32 s4, s7;
	s9 =	sshrl.u32 s8, $0x3;
	s11 =	sadd.s32 s1, s6  }
0x18: {  	s12 =	sshll.u32 s8, $0x7;
	s6 =	sadd.s32 $0x300, s2;
	[dreg:$0x4] =	wrdreg s7  }
0x19: {  	s8 =	simm.s32 $0x3;
	s4 =	sadd.s32 s4, s9;
	[dreg:$0x6] =	wrdreg s11  }
0x1a: {  	v2 =	vlaneseq.u32;
	s1 =	sadd.s32 s1, s12;
	s7 =	smax.u32 s17, $0x1;
	s9 =	simm.s32 $0x100  }
0x1b: {  	vm0 =	vmmov $0xffff;
	v1 =	vshrl.u32 v2, $0x3;
	s11 =	simm.s32 $0x1;
	s17 =	simm.s32 $0x9100;
	[dreg:$0x5] =	wrdreg s4  }
0x1c: {  	v0 =	vand.u32 $0x7, v2;
	v2 =	vor.u32 $0x8, v2;
	v1 =	vmul.u32 $0x8, v1;
	[dreg:$0x7] =	wrdreg s1;
	s4 =	sadd.s32 $0x100, s2;
	s1 =	simm.s32 $0x2  }
.LBB2_1:
0x1d: {  	s0 =	rddreg [dreg:$0x4]  }
0x1e: {  	[tilespmem:s3], [sflag:$0x3] =	stream.linear.gather [hbm4b:s0+s3], $0x20, $0x38;
	[tilespmem:$0x10100] =	vst v63  }
0x1f: {  	_ =	swait.ge [sflag:s8], $0x20  }
0x20: {  	s0 =	rddreg [dreg:$0x5];
	[sflag:s8] =	ssyncset.done $0x0  }
0x21: {  	s12 =	rddreg [dreg:$0x8];
	[sflag:s8] =	ssyncadd.s32 $0xFFFFFFE0  }
0x22: {  	[tilespmem:s12], [sflag:$0x3] =	stream.linear.gather [hbm4b:s0+s3], $0x20, $0x38;
	[tilespmem:$0x10100] =	vst v63  }
0x23: {  	_ =	swait.ge [sflag:s8], $0x20  }
0x24: {  	[sflag:s8] =	ssyncset.done $0x0  }
0x25: {  	s0 =	rddreg [dreg:$0x6];
	[sflag:s8] =	ssyncadd.s32 $0xFFFFFFE0  }
0x26: {  	[tilespmem:s9], [sflag:$0x1] =	stream.linear.gather [hbm4b:s0+s3], $0x8000, $0x38;
	[tilespmem:$0x10100] =	vst v63  }
0x27: {  	s12 =	rddreg [dreg:$0x7]  }
0x28: {  	[tilespmem:s10], [sflag:$0x1] =	stream.linear.gather [hbm4b:s12+s3], $0x8000, $0x38;
	[tilespmem:$0x10100] =	vst v63  }
0x29: {  	_ =	swait.ge [sflag:s11], $0x8000  }
0x2a: {  	[sflag:s11] =	ssyncset.done $0x0  }
0x2b: {  	[sflag:s11] =	ssyncadd.s32 $0xFFFF8000  }
0x2c: {  	v3 =	vld [tilespmem:$0x0];
	_ =	sdelay $0x4  }
0x2d: {  	v4 =	vshll.u32 v3, $0x3  }
0x2e: {  	v3 =	vand.u32 $0x7, v3;
	v4 =	vand.u32 $0xFFFFFFC0, v4  }
0x2f: {  	v3 =	vor.u32 v3, v4  }
0x30: {  	v4 =	vperm.xlane v3, v0;
	_ =	sdelay $0x1  }
0x31: {  	v4 =	vadd.s32 v1, v4;
	_ =	sdelay $0x4  }
0x32: {  	[hbm4b:s2+s3] =	stream.indirect_vreg.scatter [tilespmem:s9], [sflag:$0x2], $0x80, v4, vm0, $0xb8;
	[tilespmem:$0x10100] =	vst v63  }
0x33: {  	s0 =	rddreg [dreg:$0x9];
	v3 =	vperm.xlane v3, v2  }
0x34: {  	[hbm4b:s4+s3] =	stream.indirect_vreg.scatter [tilespmem:s0], [sflag:$0x2], $0x80, v4, vm0, $0xb8;
	[tilespmem:$0x10100] =	vst v63  }
0x35: {  	s12 =	rddreg [dreg:$0xa];
	v3 =	vadd.s32 v1, v3  }
0x36: {  	[hbm4b:s5+s3] =	stream.indirect_vreg.scatter [tilespmem:s12], [sflag:$0x2], $0x80, v4, vm0, $0xb8;
	[tilespmem:$0x10100] =	vst v63  }
0x37: {  	s0 =	rddreg [dreg:$0xb]  }
0x38: {  	[hbm4b:s6+s3] =	stream.indirect_vreg.scatter [tilespmem:s0], [sflag:$0x2], $0x80, v4, vm0, $0xb8;
	[tilespmem:$0x10100] =	vst v63  }
0x39: {  	s12 =	rddreg [dreg:$0xc]  }
0x3a: {  	[hbm4b:s2+s3] =	stream.indirect_vreg.scatter [tilespmem:s12], [sflag:$0x2], $0x80, v3, vm0, $0xb8;
	[tilespmem:$0x10100] =	vst v63  }
0x3b: {  	s0 =	rddreg [dreg:$0xd]  }
0x3c: {  	[hbm4b:s4+s3] =	stream.indirect_vreg.scatter [tilespmem:s0], [sflag:$0x2], $0x80, v3, vm0, $0xb8;
	[tilespmem:$0x10100] =	vst v63  }
0x3d: {  	s12 =	rddreg [dreg:$0xe]  }
0x3e: {  	[hbm4b:s5+s3] =	stream.indirect_vreg.scatter [tilespmem:s12], [sflag:$0x2], $0x80, v3, vm0, $0xb8;
	[tilespmem:$0x10100] =	vst v63  }
0x3f: {  	s0 =	rddreg [dreg:$0xf]  }
0x40: {  	[hbm4b:s6+s3] =	stream.indirect_vreg.scatter [tilespmem:s0], [sflag:$0x2], $0x80, v3, vm0, $0xb8;
	[tilespmem:$0x10100] =	vst v63  }
0x41: {  	v3 =	vld [tilespmem:$0x10];
	_ =	sdelay $0x4  }
0x42: {  	v61 =	vshll.u32 v3, $0x3  }
0x43: {  	v3 =	vand.u32 $0x7, v3;
	v4 =	vand.u32 $0xFFFFFFC0, v61  }
0x44: {  	v3 =	vor.u32 v3, v4  }
0x45: {  	v4 =	vperm.xlane v3, v0;
	_ =	sdelay $0x1  }
0x46: {  	v4 =	vadd.s32 v1, v4;
	_ =	sdelay $0x3  }
0x47: {  	s0 =	rddreg [dreg:$0x10]  }
0x48: {  	[hbm4b:s2+s3] =	stream.indirect_vreg.scatter [tilespmem:s0], [sflag:$0x2], $0x80, v4, vm0, $0xb8;
	[tilespmem:$0x10100] =	vst v63  }
0x49: {  	s12 =	rddreg [dreg:$0x11];
	v3 =	vperm.xlane v3, v2  }
0x4a: {  	[hbm4b:s4+s3] =	stream.indirect_vreg.scatter [tilespmem:s12], [sflag:$0x2], $0x80, v4, vm0, $0xb8;
	[tilespmem:$0x10100] =	vst v63  }
0x4b: {  	v3 =	vadd.s32 v1, v3;
	s0 =	rddreg [dreg:$0x12]  }
0x4c: {  	[hbm4b:s5+s3] =	stream.indirect_vreg.scatter [tilespmem:s0], [sflag:$0x2], $0x80, v4, vm0, $0xb8;
	[tilespmem:$0x10100] =	vst v63  }
0x4d: {  	s12 =	rddreg [dreg:$0x13]  }
0x4e: {  	[hbm4b:s6+s3] =	stream.indirect_vreg.scatter [tilespmem:s12], [sflag:$0x2], $0x80, v4, vm0, $0xb8;
	[tilespmem:$0x10100] =	vst v63  }
0x4f: {  	s12 =	simm.s32 $0x6100  }
0x50: {  	[hbm4b:s2+s3] =	stream.indirect_vreg.scatter [tilespmem:s12], [sflag:$0x2], $0x80, v3, vm0, $0xb8;
	[tilespmem:$0x10100] =	vst v63  }
0x51: {  	_ = 	snop  }
0x52: {  	[hbm4b:s4+s3] =	stream.indirect_vreg.scatter [tilespmem:s13], [sflag:$0x2], $0x80, v3, vm0, $0xb8;
	[tilespmem:$0x10100] =	vst v63  }
0x53: {  	_ = 	snop  }
0x54: {  	[hbm4b:s5+s3] =	stream.indirect_vreg.scatter [tilespmem:s14], [sflag:$0x2], $0x80, v3, vm0, $0xb8;
	[tilespmem:$0x10100] =	vst v63  }
0x55: {  	_ = 	snop  }
0x56: {  	[hbm4b:s6+s3] =	stream.indirect_vreg.scatter [tilespmem:s15], [sflag:$0x2], $0x80, v3, vm0, $0xb8;
	[tilespmem:$0x10100] =	vst v63  }
0x57: {  	_ =	swait.ge [sflag:s11], $0x8000  }
0x58: {  	[sflag:s11] =	ssyncset.done $0x0  }
0x59: {  	[sflag:s11] =	ssyncadd.s32 $0xFFFF8000  }
0x5a: {  	v3 =	vld [tilespmem:$0x80];
	_ =	sdelay $0x4  }
0x5b: {  	v62 =	vshll.u32 v3, $0x3  }
0x5c: {  	v3 =	vand.u32 $0x7, v3;
	v4 =	vand.u32 $0xFFFFFFC0, v62  }
0x5d: {  	v3 =	vor.u32 v3, v4  }
0x5e: {  	v4 =	vperm.xlane v3, v0;
	_ =	sdelay $0x1  }
0x5f: {  	v4 =	vadd.s32 v1, v4;
	_ =	sdelay $0x4  }
0x60: {  	[hbm4b:s2+s3] =	stream.indirect_vreg.scatter [tilespmem:s10], [sflag:$0x2], $0x80, v4, vm0, $0xb8;
	[tilespmem:$0x10100] =	vst v63  }
0x61: {  	v3 =	vperm.xlane v3, v2  }
0x62: {  	[hbm4b:s4+s3] =	stream.indirect_vreg.scatter [tilespmem:s16], [sflag:$0x2], $0x80, v4, vm0, $0xb8;
	[tilespmem:$0x10100] =	vst v63  }
0x63: {  	v3 =	vadd.s32 v1, v3  }
0x64: {  	[hbm4b:s5+s3] =	stream.indirect_vreg.scatter [tilespmem:s17], [sflag:$0x2], $0x80, v4, vm0, $0xb8;
	[tilespmem:$0x10100] =	vst v63  }
0x65: {  	_ = 	snop  }
0x66: {  	[hbm4b:s6+s3] =	stream.indirect_vreg.scatter [tilespmem:s18], [sflag:$0x2], $0x80, v4, vm0, $0xb8;
	[tilespmem:$0x10100] =	vst v63  }
0x67: {  	_ = 	snop  }
0x68: {  	[hbm4b:s2+s3] =	stream.indirect_vreg.scatter [tilespmem:s19], [sflag:$0x2], $0x80, v3, vm0, $0xb8;
	[tilespmem:$0x10100] =	vst v63  }
0x69: {  	_ = 	snop  }
0x6a: {  	[hbm4b:s4+s3] =	stream.indirect_vreg.scatter [tilespmem:s20], [sflag:$0x2], $0x80, v3, vm0, $0xb8;
	[tilespmem:$0x10100] =	vst v63  }
0x6b: {  	_ = 	snop  }
0x6c: {  	[hbm4b:s5+s3] =	stream.indirect_vreg.scatter [tilespmem:s21], [sflag:$0x2], $0x80, v3, vm0, $0xb8;
	[tilespmem:$0x10100] =	vst v63  }
0x6d: {  	_ = 	snop  }
0x6e: {  	[hbm4b:s6+s3] =	stream.indirect_vreg.scatter [tilespmem:s22], [sflag:$0x2], $0x80, v3, vm0, $0xb8;
	[tilespmem:$0x10100] =	vst v63  }
0x6f: {  	v3 =	vld [tilespmem:$0x90];
	_ =	sdelay $0x4  }
0x70: {  	v63 =	vshll.u32 v3, $0x3  }
0x71: {  	v3 =	vand.u32 $0x7, v3;
	v4 =	vand.u32 $0xFFFFFFC0, v63  }
0x72: {  	v3 =	vor.u32 v3, v4  }
0x73: {  	v4 =	vperm.xlane v3, v0;
	_ =	sdelay $0x1  }
0x74: {  	v4 =	vadd.s32 v1, v4;
	_ =	sdelay $0x4  }
0x75: {  	[hbm4b:s2+s3] =	stream.indirect_vreg.scatter [tilespmem:s23], [sflag:$0x2], $0x80, v4, vm0, $0xb8;
	[tilespmem:$0x10100] =	vst v63  }
0x76: {  	v3 =	vperm.xlane v3, v2  }
0x77: {  	[hbm4b:s4+s3] =	stream.indirect_vreg.scatter [tilespmem:s24], [sflag:$0x2], $0x80, v4, vm0, $0xb8;
	[tilespmem:$0x10100] =	vst v63  }
0x78: {  	v3 =	vadd.s32 v1, v3  }
0x79: {  	[hbm4b:s5+s3] =	stream.indirect_vreg.scatter [tilespmem:s25], [sflag:$0x2], $0x80, v4, vm0, $0xb8;
	[tilespmem:$0x10100] =	vst v63  }
0x7a: {  	_ = 	snop  }
0x7b: {  	[hbm4b:s6+s3] =	stream.indirect_vreg.scatter [tilespmem:s26], [sflag:$0x2], $0x80, v4, vm0, $0xb8;
	[tilespmem:$0x10100] =	vst v63  }
0x7c: {  	_ = 	snop  }
0x7d: {  	[hbm4b:s2+s3] =	stream.indirect_vreg.scatter [tilespmem:s28], [sflag:$0x2], $0x80, v3, vm0, $0xb8;
	[tilespmem:$0x10100] =	vst v63  }
0x7e: {  	_ = 	snop  }
0x7f: {  	[hbm4b:s4+s3] =	stream.indirect_vreg.scatter [tilespmem:s29], [sflag:$0x2], $0x80, v3, vm0, $0xb8;
	[tilespmem:$0x10100] =	vst v63  }
0x80: {  	_ = 	snop  }
0x81: {  	[hbm4b:s5+s3] =	stream.indirect_vreg.scatter [tilespmem:s30], [sflag:$0x2], $0x80, v3, vm0, $0xb8;
	[tilespmem:$0x10100] =	vst v63  }
0x82: {  	_ = 	snop  }
0x83: {  	[hbm4b:s6+s3] =	stream.indirect_vreg.scatter [tilespmem:s31], [sflag:$0x2], $0x80, v3, vm0, $0xb8;
	[tilespmem:$0x10100] =	vst v63  }
0x84: {  	p0 =	sne.s32 s7, $0x1;
	_ =	swait.ge [sflag:s1], $0x8000  }
.Ltmp0:
0x85: {  	[sflag:s1] =	ssyncset.done $0x0;
	(pc) =	sbr.rel @p0 .LBB2_1-.Ltmp0, $4  }
0x86: {  	[sflag:s1] =	ssyncadd.s32 $0xFFFF8000  }
0x87: {  	_ =	swait.ge [sflag:s1], $0x8000  }
0x88: {  	[sflag:s1] =	ssyncset.done $0x0  }
0x89: {  	s7 =	sadd.s32 $0xFFFFFFFF, s7;
	[sflag:s1] =	ssyncadd.s32 $0xFFFF8000  }
0x8a: {  	_ =	sfence.sel $0x180000  }
0x8b: {  	[bflag:$0x0] =	sbarrier.arrive $0xFFFF  }
0x8c: {  	_ =	strace $0x90000047  }
0x8d: {  	s0 =	stileid.u32;
	[bflag:$0x2] =	sbarrier.arrive $0xFFFF  }
0x8e: {  	p0 =	sne.s32 s0, $0x0;
	s0 =	rddreg [dreg:$0x3]  }
0x8f: {  	s0 =	sadd.s32 @!p0 $0x100000, s0  }
0x90: {  	[sflag:s0] =	ssyncadd.tile.s32 @!p0 $0x1;
	_ =	shalt  }
.Lfunc_end2:
_tile_overlayer_lowered:
.L_overlay_start_2:
0x91: {  	(tag) =	ssettag $0x2  }
0x92: {  	s0 =	rddreg [dreg:$0x0];
	s2 =	stileid.u32  }
0x93: {  	s1 =	rddreg [dreg:$0x1];
	p0 =	sne.s32 s2, $0x0  }
0x94: {  	s3 =	rddreg [dreg:$0x2];
	[bflag:$0x3] =	sbarrier.arrive $0xFFFF;
	s2 =	simm.s32 @!p0 $0x1C03  }
0x95: {  	[timem:s3], [sflag:s2] =	dma.local @!p0 [hbm:s0], s1  }
0x96: {  	s0 =	simm.s32 @!p0 $0x3  }
0x97: {  	_ =	swait.ge @!p0 [sflag:s0], s1  }
0x98: {  	s1 =	ssub.s32 @!p0 $0x0, s1;
	[sflag:s0] =	ssyncset.done @!p0 $0x0  }
0x99: {  	[sflag:s0] =	ssyncadd.s32 @!p0 s1  }
0x9a: {  	[bflag:$0x3] =	sbarrier.arrive $0xFFFF  }
0x9b: {  	_ =	shalt  }

</sc_bundles>
